<compile_context>
chip_gen: v7x
topology: tpu7x:2x2x1
jax: 0.10.2.dev20260603
libtpu: 0.0.44.dev20260713+nightly
codegen_flags: <defaults>
</compile_context>

<pallas_src>
import functools

import jax
import jax.numpy as jnp
from jax import lax
from jax.experimental import pallas as pl
from jax.experimental.pallas import tpu as pltpu
from jax.experimental.pallas import tpu_sc as plsc

_NBUF = 2
_ITEM = 512
_NTC = _ITEM // 128
_UNROLL = 8


def _gather_kernel(n_rows, d_model, items_per_w, nc):
    mesh = plsc.VectorSubcoreMesh(core_axis_name="c", subcore_axis_name="s")
    hist = n_rows // 4096
    n_tr = d_model // 8
    qmax = 4096 // _ITEM
    n_super = items_per_w // _NBUF

    @functools.partial(
        pl.kernel,
        mesh=mesh,
        out_type=jax.ShapeDtypeStruct((hist, n_tr, 32, 8, 128), jnp.float32),
        compiler_params=pltpu.CompilerParams(
            use_tc_tiling_on_sc=False, needs_layout_passes=False
        ),
        scratch_types=[
            pltpu.VMEM((_NBUF, _ITEM), jnp.int32),
            pltpu.VMEM((_NBUF, _ITEM, d_model), jnp.float32),
            pltpu.VMEM((n_tr, _NTC, 8, 129), jnp.float32),
            [pltpu.SemaphoreType.DMA] * _NBUF,
            [pltpu.SemaphoreType.DMA] * _NBUF,
            pltpu.SemaphoreType.DMA,
        ],
    )
    def k(idx_hbm, table_hbm, out_hbm, idx_v, rows_v, slab_v, isems, gsems, ssem):
        wid = lax.axis_index("s") * nc + lax.axis_index("c")
        t0 = wid * items_per_w
        iota16 = lax.iota(jnp.int32, 16)

        for b in range(_NBUF):
            pltpu.async_copy(
                idx_hbm.at[pl.ds((t0 + b) * _ITEM, _ITEM)], idx_v.at[b], isems[b]
            )
        for b in range(_NBUF):
            pltpu.make_async_copy(
                idx_hbm.at[pl.ds((t0 + b) * _ITEM, _ITEM)], idx_v.at[b], isems[b]
            ).wait()
            pltpu.async_copy(
                table_hbm.at[idx_v.at[b]], rows_v.at[b], gsems[b]
            )

        def slot_step(g, b):
            j = g * _NBUF + b
            t = t0 + j

            pltpu.make_async_copy(
                table_hbm.at[idx_v.at[b]], rows_v.at[b], gsems[b]
            ).wait()

            @pl.when(j + _NBUF < items_per_w)
            def _prefetch_idx(b=b):
                pltpu.async_copy(
                    idx_hbm.at[pl.ds((t + _NBUF) * _ITEM, _ITEM)],
                    idx_v.at[b],
                    isems[b],
                )

            @pl.when(j > 0)
            def _wait_prev_store():
                pltpu.make_async_copy(
                    slab_v.at[:, :, :, pl.ds(0, 128)], out_hbm.at[0, :, pl.ds(0, _NTC)], ssem
                ).wait()

            vtr0 = lax.shift_right_logical(iota16, 3)
            vr0 = lax.bitwise_and(iota16, 7)
            vtr1 = vtr0 + 2

            def row_body(i, c2, b=b):
                for u in range(_UNROLL):
                    row = i * _UNROLL + u
                    tc = lax.shift_right_logical(row, 7)
                    c = lax.bitwise_and(row, 127)
                    vtc = jnp.broadcast_to(tc, (16,))
                    vc = jnp.broadcast_to(c, (16,))
                    v0 = rows_v[b, row, pl.ds(0, 16)]
                    v1 = rows_v[b, row, pl.ds(16, 16)]
                    plsc.store_scatter(slab_v, [vtr0, vtc, vr0, vc], v0)
                    plsc.store_scatter(slab_v, [vtr1, vtc, vr0, vc], v1)
                return c2

            lax.fori_loop(0, _ITEM // _UNROLL, row_body, 0)

            h = t // qmax
            q = lax.rem(t, qmax)
            pltpu.async_copy(
                slab_v.at[:, :, :, pl.ds(0, 128)], out_hbm.at[h, :, pl.ds(q * _NTC, _NTC)], ssem
            )

            @pl.when(j + _NBUF < items_per_w)
            def _next_gather(b=b):
                pltpu.make_async_copy(
                    idx_hbm.at[pl.ds((t + _NBUF) * _ITEM, _ITEM)],
                    idx_v.at[b],
                    isems[b],
                ).wait()
                pltpu.async_copy(
                    table_hbm.at[idx_v.at[b]], rows_v.at[b], gsems[b]
                )

        def body(g, carry):
            for b in range(_NBUF):
                slot_step(g, b)
            return carry

        lax.fori_loop(0, n_super, body, 0)
        pltpu.make_async_copy(
            slab_v.at[:, :, :, pl.ds(0, 128)], out_hbm.at[0, :, pl.ds(0, _NTC)], ssem
        ).wait()

    return k


def kernel(x, table):
    batch, hist = x.shape
    vocab, d_model = table.shape
    n_rows = batch * hist

    info = plsc.get_sparse_core_info()
    nw = info.num_cores * info.num_subcores
    items_per_w = n_rows // (_ITEM * nw)

    idx = jnp.transpose(x).reshape(n_rows).astype(jnp.int32)
    k = _gather_kernel(n_rows, d_model, items_per_w, info.num_cores)
    p = k(idx, table)
    out = jnp.reshape(jnp.transpose(p, (2, 4, 0, 1, 3)), (batch, hist, d_model))
    return out

# --- scband reference (transcript-rebuilt; emitter-appended) ---
"""Pipeline reference for scband-embeddings-33878702031099 (READ-ONLY COPY).

The authoritative reference and input builder live on the scoring server;
editing this copy changes nothing except your own understanding.
"""

import jax, jax.numpy as jnp
import numpy as np

VOCAB = 1000000
D_MODEL = 32
BATCH = 4096
HIST = 200

def setup_inputs(seed: int = 0) -> dict:
    key = jax.random.key(seed)
    k_idx, k_tab = jax.random.split(key)
    x = jax.random.randint(k_idx, (BATCH, HIST), 0, VOCAB, dtype=jnp.int64) if jax.config.jax_enable_x64 else jax.random.randint(k_idx, (BATCH, HIST), 0, VOCAB, dtype=jnp.int32)
    table = jax.random.normal(k_tab, (VOCAB, D_MODEL), dtype=jnp.float32)
    return {"x": x, "table": table}

def reference(x, table):
    # nn.Embedding forward: row gather from the embedding table
    return jnp.take(table, x, axis=0)

if __name__ == "__main__":
    import jax
    _d = setup_inputs()
    print(jax.jit(kernel)(*tuple(_d.values())))

</pallas_src>

<mosaic_0001>
#map = affine_map<(d0, d1) -> (0)>
#map1 = affine_map<(d0, d1) -> (0, 0)>
#map2 = affine_map<(d0, d1) -> (0, 0, 0, 0, 0)>
module attributes {stable_mosaic.version = 14 : i64} {
  func.func @k(%arg0: i32, %arg1: i32, %arg2: memref<819200xi32, #tpu.memory_space<hbm>>, %arg3: memref<1000000x32xf32, #tpu.memory_space<hbm>>, %arg4: memref<200x4x32x8x128xf32, #tpu.memory_space<hbm>>, %arg5: memref<2x512xi32, #tpu.memory_space<vmem>>, %arg6: memref<2x512x32xf32, #tpu.memory_space<vmem>>, %arg7: memref<4x4x8x129xf32, #tpu.memory_space<vmem>>, %arg8: memref<!tpu.dma_semaphore, #tpu.memory_space<semaphore_mem>>, %arg9: memref<!tpu.dma_semaphore, #tpu.memory_space<semaphore_mem>>, %arg10: memref<!tpu.dma_semaphore, #tpu.memory_space<semaphore_mem>>, %arg11: memref<!tpu.dma_semaphore, #tpu.memory_space<semaphore_mem>>, %arg12: memref<!tpu.dma_semaphore, #tpu.memory_space<semaphore_mem>>) attributes {dimension_semantics = [#tpu.dimension_semantics<core_parallel>, #tpu.dimension_semantics<subcore_parallel>], iteration_bounds = array<i64: 2, 16>, scalar_prefetch = 0 : i64, scratch_operands = 8 : i64, tpu.core_type = #tpu.core_type<sc_vector_subcore>, window_params = [{transform_indices = #map}, {transform_indices = #map1}, {transform_indices = #map2}]} {
    %mul3A = arith.constant 2 : i32
    %mul3A_0 = arith.muli %arg1, %mul3A : i32
    %add3A = arith.addi %mul3A_0, %arg0 : i32
    %mul3A_1 = arith.constant 50 : i32
    %mul3A_2 = arith.muli %add3A, %mul3A_1 : i32
    %iota3A = tpu.iota {dimensions = array<i32: 0>} : vector<16xi32>
    %add3A_3 = arith.constant 0 : i32
    %add3A_4 = arith.addi %mul3A_2, %add3A_3 : i32
    %mul3A_5 = arith.constant 512 : i32
    %mul3A_6 = arith.muli %add3A_4, %mul3A_5 : i32
    %dma_start3A = arith.constant 0 : i32
    %dma_start3A_7 = arith.constant 0 : i32
    %dma_start3A_8 = tpu.memref_slice %arg5[%dma_start3A, %dma_start3A_7] : memref<2x512xi32, #tpu.memory_space<vmem>> -> memref<1x512xi32, #tpu.memory_space<vmem>>
    %dma_start3A_9 = tpu.memref_squeeze %dma_start3A_8 : memref<1x512xi32, #tpu.memory_space<vmem>> -> memref<512xi32, #tpu.memory_space<vmem>>
    %dma_start3A_10 = tpu.memref_slice %arg2[%mul3A_6] : memref<819200xi32, #tpu.memory_space<hbm>> -> memref<512xi32, #tpu.memory_space<hbm>>
    %dma_start3A_11 = arith.constant 0 : i32
    %dma_start3A_12 = tpu.memref_slice %arg5[%dma_start3A, %dma_start3A_11] : memref<2x512xi32, #tpu.memory_space<vmem>> -> memref<1x512xi32, #tpu.memory_space<vmem>>
    %dma_start3A_13 = tpu.memref_squeeze %dma_start3A_12 : memref<1x512xi32, #tpu.memory_space<vmem>> -> memref<512xi32, #tpu.memory_space<vmem>>
    %dma_start3A_14 = tpu.memref_slice %arg2[%mul3A_6] : memref<819200xi32, #tpu.memory_space<hbm>> -> memref<512xi32, #tpu.memory_space<hbm>>
    tpu.enqueue_dma source(%dma_start3A_14 : memref<512xi32, #tpu.memory_space<hbm>>) target(%dma_start3A_13 : memref<512xi32, #tpu.memory_space<vmem>>) target_semaphore(%arg8 : memref<!tpu.dma_semaphore, #tpu.memory_space<semaphore_mem>>)
    %add3A_15 = arith.constant 1 : i32
    %add3A_16 = arith.addi %mul3A_2, %add3A_15 : i32
    %mul3A_17 = arith.constant 512 : i32
    %mul3A_18 = arith.muli %add3A_16, %mul3A_17 : i32
    %dma_start3A_19 = arith.constant 1 : i32
    %dma_start3A_20 = arith.constant 0 : i32
    %dma_start3A_21 = tpu.memref_slice %arg5[%dma_start3A_19, %dma_start3A_20] : memref<2x512xi32, #tpu.memory_space<vmem>> -> memref<1x512xi32, #tpu.memory_space<vmem>>
    %dma_start3A_22 = tpu.memref_squeeze %dma_start3A_21 : memref<1x512xi32, #tpu.memory_space<vmem>> -> memref<512xi32, #tpu.memory_space<vmem>>
    %dma_start3A_23 = tpu.memref_slice %arg2[%mul3A_18] : memref<819200xi32, #tpu.memory_space<hbm>> -> memref<512xi32, #tpu.memory_space<hbm>>
    %dma_start3A_24 = arith.constant 0 : i32
    %dma_start3A_25 = tpu.memref_slice %arg5[%dma_start3A_19, %dma_start3A_24] : memref<2x512xi32, #tpu.memory_space<vmem>> -> memref<1x512xi32, #tpu.memory_space<vmem>>
    %dma_start3A_26 = tpu.memref_squeeze %dma_start3A_25 : memref<1x512xi32, #tpu.memory_space<vmem>> -> memref<512xi32, #tpu.memory_space<vmem>>
    %dma_start3A_27 = tpu.memref_slice %arg2[%mul3A_18] : memref<819200xi32, #tpu.memory_space<hbm>> -> memref<512xi32, #tpu.memory_space<hbm>>
    tpu.enqueue_dma source(%dma_start3A_27 : memref<512xi32, #tpu.memory_space<hbm>>) target(%dma_start3A_26 : memref<512xi32, #tpu.memory_space<vmem>>) target_semaphore(%arg9 : memref<!tpu.dma_semaphore, #tpu.memory_space<semaphore_mem>>)
    %add3A_28 = arith.constant 0 : i32
    %add3A_29 = arith.addi %mul3A_2, %add3A_28 : i32
    %mul3A_30 = arith.constant 512 : i32
    %mul3A_31 = arith.muli %add3A_29, %mul3A_30 : i32
    %dma_wait3A = arith.constant 0 : i32
    %dma_wait3A_32 = arith.constant 0 : i32
    %dma_wait3A_33 = tpu.memref_slice %arg5[%dma_wait3A, %dma_wait3A_32] : memref<2x512xi32, #tpu.memory_space<vmem>> -> memref<1x512xi32, #tpu.memory_space<vmem>>
    %dma_wait3A_34 = tpu.memref_squeeze %dma_wait3A_33 : memref<1x512xi32, #tpu.memory_space<vmem>> -> memref<512xi32, #tpu.memory_space<vmem>>
    %dma_wait3A_35 = tpu.memref_slice %arg2[%mul3A_31] : memref<819200xi32, #tpu.memory_space<hbm>> -> memref<512xi32, #tpu.memory_space<hbm>>
    %dma_wait3A_36 = arith.constant 0 : i32
    %dma_wait3A_37 = tpu.memref_slice %arg5[%dma_wait3A, %dma_wait3A_36] : memref<2x512xi32, #tpu.memory_space<vmem>> -> memref<1x512xi32, #tpu.memory_space<vmem>>
    %dma_wait3A_38 = tpu.memref_squeeze %dma_wait3A_37 : memref<1x512xi32, #tpu.memory_space<vmem>> -> memref<512xi32, #tpu.memory_space<vmem>>
    %dma_wait3A_39 = tpu.memref_slice %arg2[%mul3A_31] : memref<819200xi32, #tpu.memory_space<hbm>> -> memref<512xi32, #tpu.memory_space<hbm>>
    tpu.wait_dma2 semaphore(%arg8 : memref<!tpu.dma_semaphore, #tpu.memory_space<semaphore_mem>>) src(%dma_wait3A_39 : memref<512xi32, #tpu.memory_space<hbm>>) dst(%dma_wait3A_38 : memref<512xi32, #tpu.memory_space<vmem>>)
    %dma_start3A_40 = arith.constant 0 : i32
    %dma_start3A_41 = arith.constant 0 : i32
    %dma_start3A_42 = arith.constant 0 : i32
    %dma_start3A_43 = arith.constant 0 : i32
    %dma_start3A_44 = tpu.memref_slice %arg6[%dma_start3A_41, %dma_start3A_42, %dma_start3A_43] : memref<2x512x32xf32, #tpu.memory_space<vmem>> -> memref<1x512x32xf32, #tpu.memory_space<vmem>>
    %dma_start3A_45 = tpu.memref_squeeze %dma_start3A_44 : memref<1x512x32xf32, #tpu.memory_space<vmem>> -> memref<512x32xf32, #tpu.memory_space<vmem>>
    %dma_start3A_46 = arith.constant 0 : i32
    %dma_start3A_47 = tpu.memref_slice %arg5[%dma_start3A_40, %dma_start3A_46] : memref<2x512xi32, #tpu.memory_space<vmem>> -> memref<1x512xi32, #tpu.memory_space<vmem>>
    %dma_start3A_48 = tpu.memref_squeeze %dma_start3A_47 : memref<1x512xi32, #tpu.memory_space<vmem>> -> memref<512xi32, #tpu.memory_space<vmem>>
    %dma_start3A_49 = arith.constant 0 : i32
    %dma_start3A_50 = arith.constant 0 : i32
    %dma_start3A_51 = tpu.memref_slice %arg3[%dma_start3A_49, %dma_start3A_50] : memref<1000000x32xf32, #tpu.memory_space<hbm>> -> memref<1000000x32xf32, #tpu.memory_space<hbm>>
    tpu.enqueue_indirect_dma source(%dma_start3A_51 : memref<1000000x32xf32, #tpu.memory_space<hbm>>) target(%dma_start3A_45 : memref<512x32xf32, #tpu.memory_space<vmem>>) offsets(%dma_start3A_48 : memref<512xi32, #tpu.memory_space<vmem>>) semaphore(%arg10 : memref<!tpu.dma_semaphore, #tpu.memory_space<semaphore_mem>>)
    %add3A_52 = arith.constant 1 : i32
    %add3A_53 = arith.addi %mul3A_2, %add3A_52 : i32
    %mul3A_54 = arith.constant 512 : i32
    %mul3A_55 = arith.muli %add3A_53, %mul3A_54 : i32
    %dma_wait3A_56 = arith.constant 1 : i32
    %dma_wait3A_57 = arith.constant 0 : i32
    %dma_wait3A_58 = tpu.memref_slice %arg5[%dma_wait3A_56, %dma_wait3A_57] : memref<2x512xi32, #tpu.memory_space<vmem>> -> memref<1x512xi32, #tpu.memory_space<vmem>>
    %dma_wait3A_59 = tpu.memref_squeeze %dma_wait3A_58 : memref<1x512xi32, #tpu.memory_space<vmem>> -> memref<512xi32, #tpu.memory_space<vmem>>
    %dma_wait3A_60 = tpu.memref_slice %arg2[%mul3A_55] : memref<819200xi32, #tpu.memory_space<hbm>> -> memref<512xi32, #tpu.memory_space<hbm>>
    %dma_wait3A_61 = arith.constant 0 : i32
    %dma_wait3A_62 = tpu.memref_slice %arg5[%dma_wait3A_56, %dma_wait3A_61] : memref<2x512xi32, #tpu.memory_space<vmem>> -> memref<1x512xi32, #tpu.memory_space<vmem>>
    %dma_wait3A_63 = tpu.memref_squeeze %dma_wait3A_62 : memref<1x512xi32, #tpu.memory_space<vmem>> -> memref<512xi32, #tpu.memory_space<vmem>>
    %dma_wait3A_64 = tpu.memref_slice %arg2[%mul3A_55] : memref<819200xi32, #tpu.memory_space<hbm>> -> memref<512xi32, #tpu.memory_space<hbm>>
    tpu.wait_dma2 semaphore(%arg9 : memref<!tpu.dma_semaphore, #tpu.memory_space<semaphore_mem>>) src(%dma_wait3A_64 : memref<512xi32, #tpu.memory_space<hbm>>) dst(%dma_wait3A_63 : memref<512xi32, #tpu.memory_space<vmem>>)
    %dma_start3A_65 = arith.constant 1 : i32
    %dma_start3A_66 = arith.constant 1 : i32
    %dma_start3A_67 = arith.constant 0 : i32
    %dma_start3A_68 = arith.constant 0 : i32
    %dma_start3A_69 = tpu.memref_slice %arg6[%dma_start3A_66, %dma_start3A_67, %dma_start3A_68] : memref<2x512x32xf32, #tpu.memory_space<vmem>> -> memref<1x512x32xf32, #tpu.memory_space<vmem>>
    %dma_start3A_70 = tpu.memref_squeeze %dma_start3A_69 : memref<1x512x32xf32, #tpu.memory_space<vmem>> -> memref<512x32xf32, #tpu.memory_space<vmem>>
    %dma_start3A_71 = arith.constant 0 : i32
    %dma_start3A_72 = tpu.memref_slice %arg5[%dma_start3A_65, %dma_start3A_71] : memref<2x512xi32, #tpu.memory_space<vmem>> -> memref<1x512xi32, #tpu.memory_space<vmem>>
    %dma_start3A_73 = tpu.memref_squeeze %dma_start3A_72 : memref<1x512xi32, #tpu.memory_space<vmem>> -> memref<512xi32, #tpu.memory_space<vmem>>
    %dma_start3A_74 = arith.constant 0 : i32
    %dma_start3A_75 = arith.constant 0 : i32
    %dma_start3A_76 = tpu.memref_slice %arg3[%dma_start3A_74, %dma_start3A_75] : memref<1000000x32xf32, #tpu.memory_space<hbm>> -> memref<1000000x32xf32, #tpu.memory_space<hbm>>
    tpu.enqueue_indirect_dma source(%dma_start3A_76 : memref<1000000x32xf32, #tpu.memory_space<hbm>>) target(%dma_start3A_70 : memref<512x32xf32, #tpu.memory_space<vmem>>) offsets(%dma_start3A_73 : memref<512xi32, #tpu.memory_space<vmem>>) semaphore(%arg11 : memref<!tpu.dma_semaphore, #tpu.memory_space<semaphore_mem>>)
    %scan3A = arith.constant 0 : i32
    %scan3A_77 = arith.constant 0 : i32
    %scan3A_78 = arith.constant 25 : i32
    %scan3A_79 = arith.addi %scan3A_77, %scan3A_78 : i32
    %scan3A_80 = arith.constant 1 : i32
    scf.for %scan3A_105 = %scan3A_77 to %scan3A_79 step %scan3A_80  : i32 {
      %mul3A_106 = arith.constant 2 : i32
      %mul3A_107 = arith.muli %scan3A_105, %mul3A_106 : i32
      %add3A_108 = arith.constant 0 : i32
      %add3A_109 = arith.addi %mul3A_107, %add3A_108 : i32
      %add3A_110 = arith.addi %mul3A_2, %add3A_109 : i32
      %dma_wait3A_111 = arith.constant 0 : i32
      %dma_wait3A_112 = arith.constant 0 : i32
      %dma_wait3A_113 = arith.constant 0 : i32
      %dma_wait3A_114 = arith.constant 0 : i32
      %dma_wait3A_115 = tpu.memref_slice %arg6[%dma_wait3A_112, %dma_wait3A_113, %dma_wait3A_114] : memref<2x512x32xf32, #tpu.memory_space<vmem>> -> memref<1x512x32xf32, #tpu.memory_space<vmem>>
      %dma_wait3A_116 = tpu.memref_squeeze %dma_wait3A_115 : memref<1x512x32xf32, #tpu.memory_space<vmem>> -> memref<512x32xf32, #tpu.memory_space<vmem>>
      %dma_wait3A_117 = arith.constant 0 : i32
      %dma_wait3A_118 = tpu.memref_slice %arg5[%dma_wait3A_111, %dma_wait3A_117] : memref<2x512xi32, #tpu.memory_space<vmem>> -> memref<1x512xi32, #tpu.memory_space<vmem>>
      %dma_wait3A_119 = tpu.memref_squeeze %dma_wait3A_118 : memref<1x512xi32, #tpu.memory_space<vmem>> -> memref<512xi32, #tpu.memory_space<vmem>>
      %dma_wait3A_120 = arith.constant 0 : i32
      %dma_wait3A_121 = arith.constant 0 : i32
      %dma_wait3A_122 = tpu.memref_slice %arg3[%dma_wait3A_120, %dma_wait3A_121] : memref<1000000x32xf32, #tpu.memory_space<hbm>> -> memref<1000000x32xf32, #tpu.memory_space<hbm>>
      tpu.wait_indirect_dma semaphore(%arg10 : memref<!tpu.dma_semaphore, #tpu.memory_space<semaphore_mem>>) src(%dma_wait3A_122 : memref<1000000x32xf32, #tpu.memory_space<hbm>>) dst(%dma_wait3A_116 : memref<512x32xf32, #tpu.memory_space<vmem>>)
      %add3A_123 = arith.constant 2 : i32
      %add3A_124 = arith.addi %add3A_109, %add3A_123 : i32
      %lt3A = arith.constant 50 : i32
      %lt3A_125 = arith.cmpi slt, %add3A_124, %lt3A : i32
      %convert_element_type3A = arith.extui %lt3A_125 : i1 to i32
      %cond3A = arith.constant 0 : i32
      %cond3A_126 = arith.cmpi ne, %convert_element_type3A, %cond3A : i32
      scf.if %cond3A_126 {
        %add3A_291 = arith.constant 2 : i32
        %add3A_292 = arith.addi %add3A_110, %add3A_291 : i32
        %mul3A_293 = arith.constant 512 : i32
        %mul3A_294 = arith.muli %add3A_292, %mul3A_293 : i32
        %dma_start3A_295 = arith.constant 0 : i32
        %dma_start3A_296 = arith.constant 0 : i32
        %dma_start3A_297 = tpu.memref_slice %arg5[%dma_start3A_295, %dma_start3A_296] : memref<2x512xi32, #tpu.memory_space<vmem>> -> memref<1x512xi32, #tpu.memory_space<vmem>>
        %dma_start3A_298 = tpu.memref_squeeze %dma_start3A_297 : memref<1x512xi32, #tpu.memory_space<vmem>> -> memref<512xi32, #tpu.memory_space<vmem>>
        %dma_start3A_299 = tpu.memref_slice %arg2[%mul3A_294] : memref<819200xi32, #tpu.memory_space<hbm>> -> memref<512xi32, #tpu.memory_space<hbm>>
        %dma_start3A_300 = arith.constant 0 : i32
        %dma_start3A_301 = tpu.memref_slice %arg5[%dma_start3A_295, %dma_start3A_300] : memref<2x512xi32, #tpu.memory_space<vmem>> -> memref<1x512xi32, #tpu.memory_space<vmem>>
        %dma_start3A_302 = tpu.memref_squeeze %dma_start3A_301 : memref<1x512xi32, #tpu.memory_space<vmem>> -> memref<512xi32, #tpu.memory_space<vmem>>
        %dma_start3A_303 = tpu.memref_slice %arg2[%mul3A_294] : memref<819200xi32, #tpu.memory_space<hbm>> -> memref<512xi32, #tpu.memory_space<hbm>>
        tpu.enqueue_dma source(%dma_start3A_303 : memref<512xi32, #tpu.memory_space<hbm>>) target(%dma_start3A_302 : memref<512xi32, #tpu.memory_space<vmem>>) target_semaphore(%arg8 : memref<!tpu.dma_semaphore, #tpu.memory_space<semaphore_mem>>)
      } else {
      }
      %gt3A = arith.constant 0 : i32
      %gt3A_127 = arith.cmpi sgt, %add3A_109, %gt3A : i32
      %convert_element_type3A_128 = arith.extui %gt3A_127 : i1 to i32
      %cond3A_129 = arith.constant 0 : i32
      %cond3A_130 = arith.cmpi ne, %convert_element_type3A_128, %cond3A_129 : i32
      scf.if %cond3A_130 {
        %dma_wait3A_291 = arith.constant 0 : i32
        %dma_wait3A_292 = arith.constant 0 : i32
        %dma_wait3A_293 = arith.constant 0 : i32
        %dma_wait3A_294 = arith.constant 0 : i32
        %dma_wait3A_295 = arith.constant 0 : i32
        %dma_wait3A_296 = tpu.memref_slice %arg7[%dma_wait3A_292, %dma_wait3A_293, %dma_wait3A_294, %dma_wait3A_295] : memref<4x4x8x129xf32, #tpu.memory_space<vmem>> -> memref<4x4x8x128xf32, #tpu.memory_space<vmem>>
        %dma_wait3A_297 = arith.constant 0 : i32
        %dma_wait3A_298 = arith.constant 0 : i32
        %dma_wait3A_299 = arith.constant 0 : i32
        %dma_wait3A_300 = arith.constant 0 : i32
        %dma_wait3A_301 = tpu.memref_slice %arg4[%dma_wait3A_291, %dma_wait3A_297, %dma_wait3A_298, %dma_wait3A_299, %dma_wait3A_300] : memref<200x4x32x8x128xf32, #tpu.memory_space<hbm>> -> memref<1x4x4x8x128xf32, #tpu.memory_space<hbm>>
        %dma_wait3A_302 = tpu.memref_squeeze %dma_wait3A_301 : memref<1x4x4x8x128xf32, #tpu.memory_space<hbm>> -> memref<4x4x8x128xf32, #tpu.memory_space<hbm>>
        %dma_wait3A_303 = arith.constant 0 : i32
        %dma_wait3A_304 = arith.constant 0 : i32
        %dma_wait3A_305 = arith.constant 0 : i32
        %dma_wait3A_306 = arith.constant 0 : i32
        %dma_wait3A_307 = tpu.memref_slice %arg4[%dma_wait3A_291, %dma_wait3A_303, %dma_wait3A_304, %dma_wait3A_305, %dma_wait3A_306] : memref<200x4x32x8x128xf32, #tpu.memory_space<hbm>> -> memref<1x4x4x8x128xf32, #tpu.memory_space<hbm>>
        %dma_wait3A_308 = tpu.memref_squeeze %dma_wait3A_307 : memref<1x4x4x8x128xf32, #tpu.memory_space<hbm>> -> memref<4x4x8x128xf32, #tpu.memory_space<hbm>>
        %dma_wait3A_309 = arith.constant 0 : i32
        %dma_wait3A_310 = arith.constant 0 : i32
        %dma_wait3A_311 = arith.constant 0 : i32
        %dma_wait3A_312 = arith.constant 0 : i32
        %dma_wait3A_313 = tpu.memref_slice %arg7[%dma_wait3A_309, %dma_wait3A_310, %dma_wait3A_311, %dma_wait3A_312] : memref<4x4x8x129xf32, #tpu.memory_space<vmem>> -> memref<4x4x8x128xf32, #tpu.memory_space<vmem>>
        tpu.wait_dma2 semaphore(%arg12 : memref<!tpu.dma_semaphore, #tpu.memory_space<semaphore_mem>>) src(%dma_wait3A_313 : memref<4x4x8x128xf32, #tpu.memory_space<vmem>>) dst(%dma_wait3A_308 : memref<4x4x8x128xf32, #tpu.memory_space<hbm>>)
      } else {
      }
      %shift_right_logical3A = arith.constant 3 : i32
      %shift_right_logical3A_131 = vector.broadcast %shift_right_logical3A : i32 to vector<16xi32>
      %shift_right_logical3A_132 = arith.shrui %iota3A, %shift_right_logical3A_131 : vector<16xi32>
      %and3A = arith.constant 7 : i32
      %and3A_133 = vector.broadcast %and3A : i32 to vector<16xi32>
      %and3A_134 = arith.andi %iota3A, %and3A_133 : vector<16xi32>
      %add3A_135 = arith.constant 2 : i32
      %add3A_136 = vector.broadcast %add3A_135 : i32 to vector<16xi32>
      %add3A_137 = arith.addi %shift_right_logical3A_132, %add3A_136 : vector<16xi32>
      %scan3A_138 = arith.constant 0 : i32
      %scan3A_139 = arith.constant 0 : i32
      %scan3A_140 = arith.constant 64 : i32
      %scan3A_141 = arith.addi %scan3A_139, %scan3A_140 : i32
      %scan3A_142 = arith.constant 1 : i32
      scf.for %scan3A_291 = %scan3A_139 to %scan3A_141 step %scan3A_142  : i32 {
        %mul3A_292 = arith.constant 8 : i32
        %mul3A_293 = arith.muli %scan3A_291, %mul3A_292 : i32
        %add3A_294 = arith.constant 0 : i32
        %add3A_295 = arith.addi %mul3A_293, %add3A_294 : i32
        %shift_right_logical3A_296 = arith.constant 7 : i32
        %shift_right_logical3A_297 = arith.shrui %add3A_295, %shift_right_logical3A_296 : i32
        %and3A_298 = arith.constant 127 : i32
        %and3A_299 = arith.andi %add3A_295, %and3A_298 : i32
        %broadcast_in_dim3A = vector.broadcast %shift_right_logical3A_297 : i32 to vector<16xi32>
        %broadcast_in_dim3A_300 = vector.broadcast %and3A_299 : i32 to vector<16xi32>
        %get3A = arith.constant 0 : i32
        %get3A_301 = arith.index_cast %get3A : i32 to index
        %get3A_302 = arith.index_cast %add3A_295 : i32 to index
        %get3A_303 = arith.constant 0 : index
        %get3A_304 = tpu.vector_load %arg6[%get3A_301, %get3A_302, %get3A_303] {strides = array<i32>} : memref<2x512x32xf32, #tpu.memory_space<vmem>>, vector<16xf32>,
        %get3A_305 = arith.constant 0 : i32
        %get3A_306 = arith.index_cast %get3A_305 : i32 to index
        %get3A_307 = arith.index_cast %add3A_295 : i32 to index
        %get3A_308 = arith.constant 16 : index
        %get3A_309 = tpu.vector_load %arg6[%get3A_306, %get3A_307, %get3A_308] {strides = array<i32>} : memref<2x512x32xf32, #tpu.memory_space<vmem>>, vector<16xf32>,
        tpu.vector_store_idx %arg7[%shift_right_logical3A_132, %broadcast_in_dim3A, %and3A_134, %broadcast_in_dim3A_300], %get3A_304 : memref<4x4x8x129xf32, #tpu.memory_space<vmem>>[vector<16xi32>, vector<16xi32>, vector<16xi32>, vector<16xi32>], vector<16xf32>,
        tpu.vector_store_idx %arg7[%add3A_137, %broadcast_in_dim3A, %and3A_134, %broadcast_in_dim3A_300], %get3A_309 : memref<4x4x8x129xf32, #tpu.memory_space<vmem>>[vector<16xi32>, vector<16xi32>, vector<16xi32>, vector<16xi32>], vector<16xf32>,
        %mul3A_310 = arith.constant 8 : i32
        %mul3A_311 = arith.muli %scan3A_291, %mul3A_310 : i32
        %add3A_312 = arith.constant 1 : i32
        %add3A_313 = arith.addi %mul3A_311, %add3A_312 : i32
        %shift_right_logical3A_314 = arith.constant 7 : i32
        %shift_right_logical3A_315 = arith.shrui %add3A_313, %shift_right_logical3A_314 : i32
        %and3A_316 = arith.constant 127 : i32
        %and3A_317 = arith.andi %add3A_313, %and3A_316 : i32
        %broadcast_in_dim3A_318 = vector.broadcast %shift_right_logical3A_315 : i32 to vector<16xi32>
        %broadcast_in_dim3A_319 = vector.broadcast %and3A_317 : i32 to vector<16xi32>
        %get3A_320 = arith.constant 0 : i32
        %get3A_321 = arith.index_cast %get3A_320 : i32 to index
        %get3A_322 = arith.index_cast %add3A_313 : i32 to index
        %get3A_323 = arith.constant 0 : index
        %get3A_324 = tpu.vector_load %arg6[%get3A_321, %get3A_322, %get3A_323] {strides = array<i32>} : memref<2x512x32xf32, #tpu.memory_space<vmem>>, vector<16xf32>,
        %get3A_325 = arith.constant 0 : i32
        %get3A_326 = arith.index_cast %get3A_325 : i32 to index
        %get3A_327 = arith.index_cast %add3A_313 : i32 to index
        %get3A_328 = arith.constant 16 : index
        %get3A_329 = tpu.vector_load %arg6[%get3A_326, %get3A_327, %get3A_328] {strides = array<i32>} : memref<2x512x32xf32, #tpu.memory_space<vmem>>, vector<16xf32>,
        tpu.vector_store_idx %arg7[%shift_right_logical3A_132, %broadcast_in_dim3A_318, %and3A_134, %broadcast_in_dim3A_319], %get3A_324 : memref<4x4x8x129xf32, #tpu.memory_space<vmem>>[vector<16xi32>, vector<16xi32>, vector<16xi32>, vector<16xi32>], vector<16xf32>,
        tpu.vector_store_idx %arg7[%add3A_137, %broadcast_in_dim3A_318, %and3A_134, %broadcast_in_dim3A_319], %get3A_329 : memref<4x4x8x129xf32, #tpu.memory_space<vmem>>[vector<16xi32>, vector<16xi32>, vector<16xi32>, vector<16xi32>], vector<16xf32>,
        %mul3A_330 = arith.constant 8 : i32
        %mul3A_331 = arith.muli %scan3A_291, %mul3A_330 : i32
        %add3A_332 = arith.constant 2 : i32
        %add3A_333 = arith.addi %mul3A_331, %add3A_332 : i32
        %shift_right_logical3A_334 = arith.constant 7 : i32
        %shift_right_logical3A_335 = arith.shrui %add3A_333, %shift_right_logical3A_334 : i32
        %and3A_336 = arith.constant 127 : i32
        %and3A_337 = arith.andi %add3A_333, %and3A_336 : i32
        %broadcast_in_dim3A_338 = vector.broadcast %shift_right_logical3A_335 : i32 to vector<16xi32>
        %broadcast_in_dim3A_339 = vector.broadcast %and3A_337 : i32 to vector<16xi32>
        %get3A_340 = arith.constant 0 : i32
        %get3A_341 = arith.index_cast %get3A_340 : i32 to index
        %get3A_342 = arith.index_cast %add3A_333 : i32 to index
        %get3A_343 = arith.constant 0 : index
        %get3A_344 = tpu.vector_load %arg6[%get3A_341, %get3A_342, %get3A_343] {strides = array<i32>} : memref<2x512x32xf32, #tpu.memory_space<vmem>>, vector<16xf32>,
        %get3A_345 = arith.constant 0 : i32
        %get3A_346 = arith.index_cast %get3A_345 : i32 to index
        %get3A_347 = arith.index_cast %add3A_333 : i32 to index
        %get3A_348 = arith.constant 16 : index
        %get3A_349 = tpu.vector_load %arg6[%get3A_346, %get3A_347, %get3A_348] {strides = array<i32>} : memref<2x512x32xf32, #tpu.memory_space<vmem>>, vector<16xf32>,
        tpu.vector_store_idx %arg7[%shift_right_logical3A_132, %broadcast_in_dim3A_338, %and3A_134, %broadcast_in_dim3A_339], %get3A_344 : memref<4x4x8x129xf32, #tpu.memory_space<vmem>>[vector<16xi32>, vector<16xi32>, vector<16xi32>, vector<16xi32>], vector<16xf32>,
        tpu.vector_store_idx %arg7[%add3A_137, %broadcast_in_dim3A_338, %and3A_134, %broadcast_in_dim3A_339], %get3A_349 : memref<4x4x8x129xf32, #tpu.memory_space<vmem>>[vector<16xi32>, vector<16xi32>, vector<16xi32>, vector<16xi32>], vector<16xf32>,
        %mul3A_350 = arith.constant 8 : i32
        %mul3A_351 = arith.muli %scan3A_291, %mul3A_350 : i32
        %add3A_352 = arith.constant 3 : i32
        %add3A_353 = arith.addi %mul3A_351, %add3A_352 : i32
        %shift_right_logical3A_354 = arith.constant 7 : i32
        %shift_right_logical3A_355 = arith.shrui %add3A_353, %shift_right_logical3A_354 : i32
        %and3A_356 = arith.constant 127 : i32
        %and3A_357 = arith.andi %add3A_353, %and3A_356 : i32
        %broadcast_in_dim3A_358 = vector.broadcast %shift_right_logical3A_355 : i32 to vector<16xi32>
        %broadcast_in_dim3A_359 = vector.broadcast %and3A_357 : i32 to vector<16xi32>
        %get3A_360 = arith.constant 0 : i32
        %get3A_361 = arith.index_cast %get3A_360 : i32 to index
        %get3A_362 = arith.index_cast %add3A_353 : i32 to index
        %get3A_363 = arith.constant 0 : index
        %get3A_364 = tpu.vector_load %arg6[%get3A_361, %get3A_362, %get3A_363] {strides = array<i32>} : memref<2x512x32xf32, #tpu.memory_space<vmem>>, vector<16xf32>,
        %get3A_365 = arith.constant 0 : i32
        %get3A_366 = arith.index_cast %get3A_365 : i32 to index
        %get3A_367 = arith.index_cast %add3A_353 : i32 to index
        %get3A_368 = arith.constant 16 : index
        %get3A_369 = tpu.vector_load %arg6[%get3A_366, %get3A_367, %get3A_368] {strides = array<i32>} : memref<2x512x32xf32, #tpu.memory_space<vmem>>, vector<16xf32>,
        tpu.vector_store_idx %arg7[%shift_right_logical3A_132, %broadcast_in_dim3A_358, %and3A_134, %broadcast_in_dim3A_359], %get3A_364 : memref<4x4x8x129xf32, #tpu.memory_space<vmem>>[vector<16xi32>, vector<16xi32>, vector<16xi32>, vector<16xi32>], vector<16xf32>,
        tpu.vector_store_idx %arg7[%add3A_137, %broadcast_in_dim3A_358, %and3A_134, %broadcast_in_dim3A_359], %get3A_369 : memref<4x4x8x129xf32, #tpu.memory_space<vmem>>[vector<16xi32>, vector<16xi32>, vector<16xi32>, vector<16xi32>], vector<16xf32>,
        %mul3A_370 = arith.constant 8 : i32
        %mul3A_371 = arith.muli %scan3A_291, %mul3A_370 : i32
        %add3A_372 = arith.constant 4 : i32
        %add3A_373 = arith.addi %mul3A_371, %add3A_372 : i32
        %shift_right_logical3A_374 = arith.constant 7 : i32
        %shift_right_logical3A_375 = arith.shrui %add3A_373, %shift_right_logical3A_374 : i32
        %and3A_376 = arith.constant 127 : i32
        %and3A_377 = arith.andi %add3A_373, %and3A_376 : i32
        %broadcast_in_dim3A_378 = vector.broadcast %shift_right_logical3A_375 : i32 to vector<16xi32>
        %broadcast_in_dim3A_379 = vector.broadcast %and3A_377 : i32 to vector<16xi32>
        %get3A_380 = arith.constant 0 : i32
        %get3A_381 = arith.index_cast %get3A_380 : i32 to index
        %get3A_382 = arith.index_cast %add3A_373 : i32 to index
        %get3A_383 = arith.constant 0 : index
        %get3A_384 = tpu.vector_load %arg6[%get3A_381, %get3A_382, %get3A_383] {strides = array<i32>} : memref<2x512x32xf32, #tpu.memory_space<vmem>>, vector<16xf32>,
        %get3A_385 = arith.constant 0 : i32
        %get3A_386 = arith.index_cast %get3A_385 : i32 to index
        %get3A_387 = arith.index_cast %add3A_373 : i32 to index
        %get3A_388 = arith.constant 16 : index
        %get3A_389 = tpu.vector_load %arg6[%get3A_386, %get3A_387, %get3A_388] {strides = array<i32>} : memref<2x512x32xf32, #tpu.memory_space<vmem>>, vector<16xf32>,
        tpu.vector_store_idx %arg7[%shift_right_logical3A_132, %broadcast_in_dim3A_378, %and3A_134, %broadcast_in_dim3A_379], %get3A_384 : memref<4x4x8x129xf32, #tpu.memory_space<vmem>>[vector<16xi32>, vector<16xi32>, vector<16xi32>, vector<16xi32>], vector<16xf32>,
        tpu.vector_store_idx %arg7[%add3A_137, %broadcast_in_dim3A_378, %and3A_134, %broadcast_in_dim3A_379], %get3A_389 : memref<4x4x8x129xf32, #tpu.memory_space<vmem>>[vector<16xi32>, vector<16xi32>, vector<16xi32>, vector<16xi32>], vector<16xf32>,
        %mul3A_390 = arith.constant 8 : i32
        %mul3A_391 = arith.muli %scan3A_291, %mul3A_390 : i32
        %add3A_392 = arith.constant 5 : i32
        %add3A_393 = arith.addi %mul3A_391, %add3A_392 : i32
        %shift_right_logical3A_394 = arith.constant 7 : i32
        %shift_right_logical3A_395 = arith.shrui %add3A_393, %shift_right_logical3A_394 : i32
        %and3A_396 = arith.constant 127 : i32
        %and3A_397 = arith.andi %add3A_393, %and3A_396 : i32
        %broadcast_in_dim3A_398 = vector.broadcast %shift_right_logical3A_395 : i32 to vector<16xi32>
        %broadcast_in_dim3A_399 = vector.broadcast %and3A_397 : i32 to vector<16xi32>
        %get3A_400 = arith.constant 0 : i32
        %get3A_401 = arith.index_cast %get3A_400 : i32 to index
        %get3A_402 = arith.index_cast %add3A_393 : i32 to index
        %get3A_403 = arith.constant 0 : index
        %get3A_404 = tpu.vector_load %arg6[%get3A_401, %get3A_402, %get3A_403] {strides = array<i32>} : memref<2x512x32xf32, #tpu.memory_space<vmem>>, vector<16xf32>,
        %get3A_405 = arith.constant 0 : i32
        %get3A_406 = arith.index_cast %get3A_405 : i32 to index
        %get3A_407 = arith.index_cast %add3A_393 : i32 to index
        %get3A_408 = arith.constant 16 : index
        %get3A_409 = tpu.vector_load %arg6[%get3A_406, %get3A_407, %get3A_408] {strides = array<i32>} : memref<2x512x32xf32, #tpu.memory_space<vmem>>, vector<16xf32>,
        tpu.vector_store_idx %arg7[%shift_right_logical3A_132, %broadcast_in_dim3A_398, %and3A_134, %broadcast_in_dim3A_399], %get3A_404 : memref<4x4x8x129xf32, #tpu.memory_space<vmem>>[vector<16xi32>, vector<16xi32>, vector<16xi32>, vector<16xi32>], vector<16xf32>,
        tpu.vector_store_idx %arg7[%add3A_137, %broadcast_in_dim3A_398, %and3A_134, %broadcast_in_dim3A_399], %get3A_409 : memref<4x4x8x129xf32, #tpu.memory_space<vmem>>[vector<16xi32>, vector<16xi32>, vector<16xi32>, vector<16xi32>], vector<16xf32>,
        %mul3A_410 = arith.constant 8 : i32
        %mul3A_411 = arith.muli %scan3A_291, %mul3A_410 : i32
        %add3A_412 = arith.constant 6 : i32
        %add3A_413 = arith.addi %mul3A_411, %add3A_412 : i32
        %shift_right_logical3A_414 = arith.constant 7 : i32
        %shift_right_logical3A_415 = arith.shrui %add3A_413, %shift_right_logical3A_414 : i32
        %and3A_416 = arith.constant 127 : i32
        %and3A_417 = arith.andi %add3A_413, %and3A_416 : i32
        %broadcast_in_dim3A_418 = vector.broadcast %shift_right_logical3A_415 : i32 to vector<16xi32>
        %broadcast_in_dim3A_419 = vector.broadcast %and3A_417 : i32 to vector<16xi32>
        %get3A_420 = arith.constant 0 : i32
        %get3A_421 = arith.index_cast %get3A_420 : i32 to index
        %get3A_422 = arith.index_cast %add3A_413 : i32 to index
        %get3A_423 = arith.constant 0 : index
        %get3A_424 = tpu.vector_load %arg6[%get3A_421, %get3A_422, %get3A_423] {strides = array<i32>} : memref<2x512x32xf32, #tpu.memory_space<vmem>>, vector<16xf32>,
        %get3A_425 = arith.constant 0 : i32
        %get3A_426 = arith.index_cast %get3A_425 : i32 to index
        %get3A_427 = arith.index_cast %add3A_413 : i32 to index
        %get3A_428 = arith.constant 16 : index
        %get3A_429 = tpu.vector_load %arg6[%get3A_426, %get3A_427, %get3A_428] {strides = array<i32>} : memref<2x512x32xf32, #tpu.memory_space<vmem>>, vector<16xf32>,
        tpu.vector_store_idx %arg7[%shift_right_logical3A_132, %broadcast_in_dim3A_418, %and3A_134, %broadcast_in_dim3A_419], %get3A_424 : memref<4x4x8x129xf32, #tpu.memory_space<vmem>>[vector<16xi32>, vector<16xi32>, vector<16xi32>, vector<16xi32>], vector<16xf32>,
        tpu.vector_store_idx %arg7[%add3A_137, %broadcast_in_dim3A_418, %and3A_134, %broadcast_in_dim3A_419], %get3A_429 : memref<4x4x8x129xf32, #tpu.memory_space<vmem>>[vector<16xi32>, vector<16xi32>, vector<16xi32>, vector<16xi32>], vector<16xf32>,
        %mul3A_430 = arith.constant 8 : i32
        %mul3A_431 = arith.muli %scan3A_291, %mul3A_430 : i32
        %add3A_432 = arith.constant 7 : i32
        %add3A_433 = arith.addi %mul3A_431, %add3A_432 : i32
        %shift_right_logical3A_434 = arith.constant 7 : i32
        %shift_right_logical3A_435 = arith.shrui %add3A_433, %shift_right_logical3A_434 : i32
        %and3A_436 = arith.constant 127 : i32
        %and3A_437 = arith.andi %add3A_433, %and3A_436 : i32
        %broadcast_in_dim3A_438 = vector.broadcast %shift_right_logical3A_435 : i32 to vector<16xi32>
        %broadcast_in_dim3A_439 = vector.broadcast %and3A_437 : i32 to vector<16xi32>
        %get3A_440 = arith.constant 0 : i32
        %get3A_441 = arith.index_cast %get3A_440 : i32 to index
        %get3A_442 = arith.index_cast %add3A_433 : i32 to index
        %get3A_443 = arith.constant 0 : index
        %get3A_444 = tpu.vector_load %arg6[%get3A_441, %get3A_442, %get3A_443] {strides = array<i32>} : memref<2x512x32xf32, #tpu.memory_space<vmem>>, vector<16xf32>,
        %get3A_445 = arith.constant 0 : i32
        %get3A_446 = arith.index_cast %get3A_445 : i32 to index
        %get3A_447 = arith.index_cast %add3A_433 : i32 to index
        %get3A_448 = arith.constant 16 : index
        %get3A_449 = tpu.vector_load %arg6[%get3A_446, %get3A_447, %get3A_448] {strides = array<i32>} : memref<2x512x32xf32, #tpu.memory_space<vmem>>, vector<16xf32>,
        tpu.vector_store_idx %arg7[%shift_right_logical3A_132, %broadcast_in_dim3A_438, %and3A_134, %broadcast_in_dim3A_439], %get3A_444 : memref<4x4x8x129xf32, #tpu.memory_space<vmem>>[vector<16xi32>, vector<16xi32>, vector<16xi32>, vector<16xi32>], vector<16xf32>,
        tpu.vector_store_idx %arg7[%add3A_137, %broadcast_in_dim3A_438, %and3A_134, %broadcast_in_dim3A_439], %get3A_449 : memref<4x4x8x129xf32, #tpu.memory_space<vmem>>[vector<16xi32>, vector<16xi32>, vector<16xi32>, vector<16xi32>], vector<16xf32>,
      }
      %scan3A_143 = arith.constant 64 : i32
      %jit3A = arith.constant 8 : i32
      %div3A = arith.divsi %add3A_110, %jit3A : i32
      %sign3A = arith.constant 0 : i32
      %sign3A_144 = arith.cmpi sgt, %add3A_110, %sign3A : i32
      %sign3A_145 = arith.extui %sign3A_144 : i1 to i32
      %sign3A_146 = arith.constant 0 : i32
      %sign3A_147 = arith.cmpi slt, %add3A_110, %sign3A_146 : i32
      %sign3A_148 = arith.extui %sign3A_147 : i1 to i32
      %sign3A_149 = arith.subi %sign3A_145, %sign3A_148 : i32
      %sign3A_150 = arith.constant 0 : i32
      %sign3A_151 = arith.cmpi sgt, %jit3A, %sign3A_150 : i32
      %sign3A_152 = arith.extui %sign3A_151 : i1 to i32
      %sign3A_153 = arith.constant 0 : i32
      %sign3A_154 = arith.cmpi slt, %jit3A, %sign3A_153 : i32
      %sign3A_155 = arith.extui %sign3A_154 : i1 to i32
      %sign3A_156 = arith.subi %sign3A_152, %sign3A_155 : i32
      %ne3A = arith.cmpi ne, %sign3A_149, %sign3A_156 : i32
      %rem3A = arith.remsi %add3A_110, %jit3A : i32
      %ne3A_157 = arith.constant 0 : i32
      %ne3A_158 = arith.cmpi ne, %rem3A, %ne3A_157 : i32
      %and3A_159 = arith.andi %ne3A, %ne3A_158 : i1
      %sub3A = arith.constant 1 : i32
      %sub3A_160 = arith.subi %div3A, %sub3A : i32
      %select_n3A = arith.select %and3A_159, %sub3A_160, %div3A : i32
      %rem3A_161 = arith.constant 8 : i32
      %rem3A_162 = arith.remsi %add3A_110, %rem3A_161 : i32
      %mul3A_163 = arith.constant 4 : i32
      %mul3A_164 = arith.muli %rem3A_162, %mul3A_163 : i32
      %dma_start3A_165 = arith.constant 0 : i32
      %dma_start3A_166 = arith.constant 0 : i32
      %dma_start3A_167 = arith.constant 0 : i32
      %dma_start3A_168 = arith.constant 0 : i32
      %dma_start3A_169 = tpu.memref_slice %arg7[%dma_start3A_165, %dma_start3A_166, %dma_start3A_167, %dma_start3A_168] : memref<4x4x8x129xf32, #tpu.memory_space<vmem>> -> memref<4x4x8x128xf32, #tpu.memory_space<vmem>>
      %dma_start3A_170 = arith.constant 0 : i32
      %dma_start3A_171 = arith.constant 0 : i32
      %dma_start3A_172 = arith.constant 0 : i32
      %dma_start3A_173 = tpu.memref_slice %arg4[%select_n3A, %dma_start3A_170, %mul3A_164, %dma_start3A_171, %dma_start3A_172] : memref<200x4x32x8x128xf32, #tpu.memory_space<hbm>> -> memref<1x4x4x8x128xf32, #tpu.memory_space<hbm>>
      %dma_start3A_174 = tpu.memref_squeeze %dma_start3A_173 : memref<1x4x4x8x128xf32, #tpu.memory_space<hbm>> -> memref<4x4x8x128xf32, #tpu.memory_space<hbm>>
      %dma_start3A_175 = arith.constant 0 : i32
      %dma_start3A_176 = arith.constant 0 : i32
      %dma_start3A_177 = arith.constant 0 : i32
      %dma_start3A_178 = tpu.memref_slice %arg4[%select_n3A, %dma_start3A_175, %mul3A_164, %dma_start3A_176, %dma_start3A_177] : memref<200x4x32x8x128xf32, #tpu.memory_space<hbm>> -> memref<1x4x4x8x128xf32, #tpu.memory_space<hbm>>
      %dma_start3A_179 = tpu.memref_squeeze %dma_start3A_178 : memref<1x4x4x8x128xf32, #tpu.memory_space<hbm>> -> memref<4x4x8x128xf32, #tpu.memory_space<hbm>>
      %dma_start3A_180 = arith.constant 0 : i32
      %dma_start3A_181 = arith.constant 0 : i32
      %dma_start3A_182 = arith.constant 0 : i32
      %dma_start3A_183 = arith.constant 0 : i32
      %dma_start3A_184 = tpu.memref_slice %arg7[%dma_start3A_180, %dma_start3A_181, %dma_start3A_182, %dma_start3A_183] : memref<4x4x8x129xf32, #tpu.memory_space<vmem>> -> memref<4x4x8x128xf32, #tpu.memory_space<vmem>>
      tpu.enqueue_dma source(%dma_start3A_184 : memref<4x4x8x128xf32, #tpu.memory_space<vmem>>) target(%dma_start3A_179 : memref<4x4x8x128xf32, #tpu.memory_space<hbm>>) target_semaphore(%arg12 : memref<!tpu.dma_semaphore, #tpu.memory_space<semaphore_mem>>)
      %add3A_185 = arith.constant 2 : i32
      %add3A_186 = arith.addi %add3A_109, %add3A_185 : i32
      %lt3A_187 = arith.constant 50 : i32
      %lt3A_188 = arith.cmpi slt, %add3A_186, %lt3A_187 : i32
      %convert_element_type3A_189 = arith.extui %lt3A_188 : i1 to i32
      %cond3A_190 = arith.constant 0 : i32
      %cond3A_191 = arith.cmpi ne, %convert_element_type3A_189, %cond3A_190 : i32
      scf.if %cond3A_191 {
        %add3A_291 = arith.constant 2 : i32
        %add3A_292 = arith.addi %add3A_110, %add3A_291 : i32
        %mul3A_293 = arith.constant 512 : i32
        %mul3A_294 = arith.muli %add3A_292, %mul3A_293 : i32
        %dma_wait3A_295 = arith.constant 0 : i32
        %dma_wait3A_296 = arith.constant 0 : i32
        %dma_wait3A_297 = tpu.memref_slice %arg5[%dma_wait3A_295, %dma_wait3A_296] : memref<2x512xi32, #tpu.memory_space<vmem>> -> memref<1x512xi32, #tpu.memory_space<vmem>>
        %dma_wait3A_298 = tpu.memref_squeeze %dma_wait3A_297 : memref<1x512xi32, #tpu.memory_space<vmem>> -> memref<512xi32, #tpu.memory_space<vmem>>
        %dma_wait3A_299 = tpu.memref_slice %arg2[%mul3A_294] : memref<819200xi32, #tpu.memory_space<hbm>> -> memref<512xi32, #tpu.memory_space<hbm>>
        %dma_wait3A_300 = arith.constant 0 : i32
        %dma_wait3A_301 = tpu.memref_slice %arg5[%dma_wait3A_295, %dma_wait3A_300] : memref<2x512xi32, #tpu.memory_space<vmem>> -> memref<1x512xi32, #tpu.memory_space<vmem>>
        %dma_wait3A_302 = tpu.memref_squeeze %dma_wait3A_301 : memref<1x512xi32, #tpu.memory_space<vmem>> -> memref<512xi32, #tpu.memory_space<vmem>>
        %dma_wait3A_303 = tpu.memref_slice %arg2[%mul3A_294] : memref<819200xi32, #tpu.memory_space<hbm>> -> memref<512xi32, #tpu.memory_space<hbm>>
        tpu.wait_dma2 semaphore(%arg8 : memref<!tpu.dma_semaphore, #tpu.memory_space<semaphore_mem>>) src(%dma_wait3A_303 : memref<512xi32, #tpu.memory_space<hbm>>) dst(%dma_wait3A_302 : memref<512xi32, #tpu.memory_space<vmem>>)
        %dma_start3A_304 = arith.constant 0 : i32
        %dma_start3A_305 = arith.constant 0 : i32
        %dma_start3A_306 = arith.constant 0 : i32
        %dma_start3A_307 = arith.constant 0 : i32
        %dma_start3A_308 = tpu.memref_slice %arg6[%dma_start3A_305, %dma_start3A_306, %dma_start3A_307] : memref<2x512x32xf32, #tpu.memory_space<vmem>> -> memref<1x512x32xf32, #tpu.memory_space<vmem>>
        %dma_start3A_309 = tpu.memref_squeeze %dma_start3A_308 : memref<1x512x32xf32, #tpu.memory_space<vmem>> -> memref<512x32xf32, #tpu.memory_space<vmem>>
        %dma_start3A_310 = arith.constant 0 : i32
        %dma_start3A_311 = tpu.memref_slice %arg5[%dma_start3A_304, %dma_start3A_310] : memref<2x512xi32, #tpu.memory_space<vmem>> -> memref<1x512xi32, #tpu.memory_space<vmem>>
        %dma_start3A_312 = tpu.memref_squeeze %dma_start3A_311 : memref<1x512xi32, #tpu.memory_space<vmem>> -> memref<512xi32, #tpu.memory_space<vmem>>
        %dma_start3A_313 = arith.constant 0 : i32
        %dma_start3A_314 = arith.constant 0 : i32
        %dma_start3A_315 = tpu.memref_slice %arg3[%dma_start3A_313, %dma_start3A_314] : memref<1000000x32xf32, #tpu.memory_space<hbm>> -> memref<1000000x32xf32, #tpu.memory_space<hbm>>
        tpu.enqueue_indirect_dma source(%dma_start3A_315 : memref<1000000x32xf32, #tpu.memory_space<hbm>>) target(%dma_start3A_309 : memref<512x32xf32, #tpu.memory_space<vmem>>) offsets(%dma_start3A_312 : memref<512xi32, #tpu.memory_space<vmem>>) semaphore(%arg10 : memref<!tpu.dma_semaphore, #tpu.memory_space<semaphore_mem>>)
      } else {
      }
      %mul3A_192 = arith.constant 2 : i32
      %mul3A_193 = arith.muli %scan3A_105, %mul3A_192 : i32
      %add3A_194 = arith.constant 1 : i32
      %add3A_195 = arith.addi %mul3A_193, %add3A_194 : i32
      %add3A_196 = arith.addi %mul3A_2, %add3A_195 : i32
      %dma_wait3A_197 = arith.constant 1 : i32
      %dma_wait3A_198 = arith.constant 1 : i32
      %dma_wait3A_199 = arith.constant 0 : i32
      %dma_wait3A_200 = arith.constant 0 : i32
      %dma_wait3A_201 = tpu.memref_slice %arg6[%dma_wait3A_198, %dma_wait3A_199, %dma_wait3A_200] : memref<2x512x32xf32, #tpu.memory_space<vmem>> -> memref<1x512x32xf32, #tpu.memory_space<vmem>>
      %dma_wait3A_202 = tpu.memref_squeeze %dma_wait3A_201 : memref<1x512x32xf32, #tpu.memory_space<vmem>> -> memref<512x32xf32, #tpu.memory_space<vmem>>
      %dma_wait3A_203 = arith.constant 0 : i32
      %dma_wait3A_204 = tpu.memref_slice %arg5[%dma_wait3A_197, %dma_wait3A_203] : memref<2x512xi32, #tpu.memory_space<vmem>> -> memref<1x512xi32, #tpu.memory_space<vmem>>
      %dma_wait3A_205 = tpu.memref_squeeze %dma_wait3A_204 : memref<1x512xi32, #tpu.memory_space<vmem>> -> memref<512xi32, #tpu.memory_space<vmem>>
      %dma_wait3A_206 = arith.constant 0 : i32
      %dma_wait3A_207 = arith.constant 0 : i32
      %dma_wait3A_208 = tpu.memref_slice %arg3[%dma_wait3A_206, %dma_wait3A_207] : memref<1000000x32xf32, #tpu.memory_space<hbm>> -> memref<1000000x32xf32, #tpu.memory_space<hbm>>
      tpu.wait_indirect_dma semaphore(%arg11 : memref<!tpu.dma_semaphore, #tpu.memory_space<semaphore_mem>>) src(%dma_wait3A_208 : memref<1000000x32xf32, #tpu.memory_space<hbm>>) dst(%dma_wait3A_202 : memref<512x32xf32, #tpu.memory_space<vmem>>)
      %add3A_209 = arith.constant 2 : i32
      %add3A_210 = arith.addi %add3A_195, %add3A_209 : i32
      %lt3A_211 = arith.constant 50 : i32
      %lt3A_212 = arith.cmpi slt, %add3A_210, %lt3A_211 : i32
      %convert_element_type3A_213 = arith.extui %lt3A_212 : i1 to i32
      %cond3A_214 = arith.constant 0 : i32
      %cond3A_215 = arith.cmpi ne, %convert_element_type3A_213, %cond3A_214 : i32
      scf.if %cond3A_215 {
        %add3A_291 = arith.constant 2 : i32
        %add3A_292 = arith.addi %add3A_196, %add3A_291 : i32
        %mul3A_293 = arith.constant 512 : i32
        %mul3A_294 = arith.muli %add3A_292, %mul3A_293 : i32
        %dma_start3A_295 = arith.constant 1 : i32
        %dma_start3A_296 = arith.constant 0 : i32
        %dma_start3A_297 = tpu.memref_slice %arg5[%dma_start3A_295, %dma_start3A_296] : memref<2x512xi32, #tpu.memory_space<vmem>> -> memref<1x512xi32, #tpu.memory_space<vmem>>
        %dma_start3A_298 = tpu.memref_squeeze %dma_start3A_297 : memref<1x512xi32, #tpu.memory_space<vmem>> -> memref<512xi32, #tpu.memory_space<vmem>>
        %dma_start3A_299 = tpu.memref_slice %arg2[%mul3A_294] : memref<819200xi32, #tpu.memory_space<hbm>> -> memref<512xi32, #tpu.memory_space<hbm>>
        %dma_start3A_300 = arith.constant 0 : i32
        %dma_start3A_301 = tpu.memref_slice %arg5[%dma_start3A_295, %dma_start3A_300] : memref<2x512xi32, #tpu.memory_space<vmem>> -> memref<1x512xi32, #tpu.memory_space<vmem>>
        %dma_start3A_302 = tpu.memref_squeeze %dma_start3A_301 : memref<1x512xi32, #tpu.memory_space<vmem>> -> memref<512xi32, #tpu.memory_space<vmem>>
        %dma_start3A_303 = tpu.memref_slice %arg2[%mul3A_294] : memref<819200xi32, #tpu.memory_space<hbm>> -> memref<512xi32, #tpu.memory_space<hbm>>
        tpu.enqueue_dma source(%dma_start3A_303 : memref<512xi32, #tpu.memory_space<hbm>>) target(%dma_start3A_302 : memref<512xi32, #tpu.memory_space<vmem>>) target_semaphore(%arg9 : memref<!tpu.dma_semaphore, #tpu.memory_space<semaphore_mem>>)
      } else {
      }
      %gt3A_216 = arith.constant 0 : i32
      %gt3A_217 = arith.cmpi sgt, %add3A_195, %gt3A_216 : i32
      %convert_element_type3A_218 = arith.extui %gt3A_217 : i1 to i32
      %cond3A_219 = arith.constant 0 : i32
      %cond3A_220 = arith.cmpi ne, %convert_element_type3A_218, %cond3A_219 : i32
      scf.if %cond3A_220 {
        %dma_wait3A_291 = arith.constant 0 : i32
        %dma_wait3A_292 = arith.constant 0 : i32
        %dma_wait3A_293 = arith.constant 0 : i32
        %dma_wait3A_294 = arith.constant 0 : i32
        %dma_wait3A_295 = arith.constant 0 : i32
        %dma_wait3A_296 = tpu.memref_slice %arg7[%dma_wait3A_292, %dma_wait3A_293, %dma_wait3A_294, %dma_wait3A_295] : memref<4x4x8x129xf32, #tpu.memory_space<vmem>> -> memref<4x4x8x128xf32, #tpu.memory_space<vmem>>
        %dma_wait3A_297 = arith.constant 0 : i32
        %dma_wait3A_298 = arith.constant 0 : i32
        %dma_wait3A_299 = arith.constant 0 : i32
        %dma_wait3A_300 = arith.constant 0 : i32
        %dma_wait3A_301 = tpu.memref_slice %arg4[%dma_wait3A_291, %dma_wait3A_297, %dma_wait3A_298, %dma_wait3A_299, %dma_wait3A_300] : memref<200x4x32x8x128xf32, #tpu.memory_space<hbm>> -> memref<1x4x4x8x128xf32, #tpu.memory_space<hbm>>
        %dma_wait3A_302 = tpu.memref_squeeze %dma_wait3A_301 : memref<1x4x4x8x128xf32, #tpu.memory_space<hbm>> -> memref<4x4x8x128xf32, #tpu.memory_space<hbm>>
        %dma_wait3A_303 = arith.constant 0 : i32
        %dma_wait3A_304 = arith.constant 0 : i32
        %dma_wait3A_305 = arith.constant 0 : i32
        %dma_wait3A_306 = arith.constant 0 : i32
        %dma_wait3A_307 = tpu.memref_slice %arg4[%dma_wait3A_291, %dma_wait3A_303, %dma_wait3A_304, %dma_wait3A_305, %dma_wait3A_306] : memref<200x4x32x8x128xf32, #tpu.memory_space<hbm>> -> memref<1x4x4x8x128xf32, #tpu.memory_space<hbm>>
        %dma_wait3A_308 = tpu.memref_squeeze %dma_wait3A_307 : memref<1x4x4x8x128xf32, #tpu.memory_space<hbm>> -> memref<4x4x8x128xf32, #tpu.memory_space<hbm>>
        %dma_wait3A_309 = arith.constant 0 : i32
        %dma_wait3A_310 = arith.constant 0 : i32
        %dma_wait3A_311 = arith.constant 0 : i32
        %dma_wait3A_312 = arith.constant 0 : i32
        %dma_wait3A_313 = tpu.memref_slice %arg7[%dma_wait3A_309, %dma_wait3A_310, %dma_wait3A_311, %dma_wait3A_312] : memref<4x4x8x129xf32, #tpu.memory_space<vmem>> -> memref<4x4x8x128xf32, #tpu.memory_space<vmem>>
        tpu.wait_dma2 semaphore(%arg12 : memref<!tpu.dma_semaphore, #tpu.memory_space<semaphore_mem>>) src(%dma_wait3A_313 : memref<4x4x8x128xf32, #tpu.memory_space<vmem>>) dst(%dma_wait3A_308 : memref<4x4x8x128xf32, #tpu.memory_space<hbm>>)
      } else {
      }
      %shift_right_logical3A_221 = arith.constant 3 : i32
      %shift_right_logical3A_222 = vector.broadcast %shift_right_logical3A_221 : i32 to vector<16xi32>
      %shift_right_logical3A_223 = arith.shrui %iota3A, %shift_right_logical3A_222 : vector<16xi32>
      %and3A_224 = arith.constant 7 : i32
      %and3A_225 = vector.broadcast %and3A_224 : i32 to vector<16xi32>
      %and3A_226 = arith.andi %iota3A, %and3A_225 : vector<16xi32>
      %add3A_227 = arith.constant 2 : i32
      %add3A_228 = vector.broadcast %add3A_227 : i32 to vector<16xi32>
      %add3A_229 = arith.addi %shift_right_logical3A_223, %add3A_228 : vector<16xi32>
      %scan3A_230 = arith.constant 0 : i32
      %scan3A_231 = arith.constant 0 : i32
      %scan3A_232 = arith.constant 64 : i32
      %scan3A_233 = arith.addi %scan3A_231, %scan3A_232 : i32
      %scan3A_234 = arith.constant 1 : i32
      scf.for %scan3A_291 = %scan3A_231 to %scan3A_233 step %scan3A_234  : i32 {
        %mul3A_292 = arith.constant 8 : i32
        %mul3A_293 = arith.muli %scan3A_291, %mul3A_292 : i32
        %add3A_294 = arith.constant 0 : i32
        %add3A_295 = arith.addi %mul3A_293, %add3A_294 : i32
        %shift_right_logical3A_296 = arith.constant 7 : i32
        %shift_right_logical3A_297 = arith.shrui %add3A_295, %shift_right_logical3A_296 : i32
        %and3A_298 = arith.constant 127 : i32
        %and3A_299 = arith.andi %add3A_295, %and3A_298 : i32
        %broadcast_in_dim3A = vector.broadcast %shift_right_logical3A_297 : i32 to vector<16xi32>
        %broadcast_in_dim3A_300 = vector.broadcast %and3A_299 : i32 to vector<16xi32>
        %get3A = arith.constant 1 : i32
        %get3A_301 = arith.index_cast %get3A : i32 to index
        %get3A_302 = arith.index_cast %add3A_295 : i32 to index
        %get3A_303 = arith.constant 0 : index
        %get3A_304 = tpu.vector_load %arg6[%get3A_301, %get3A_302, %get3A_303] {strides = array<i32>} : memref<2x512x32xf32, #tpu.memory_space<vmem>>, vector<16xf32>,
        %get3A_305 = arith.constant 1 : i32
        %get3A_306 = arith.index_cast %get3A_305 : i32 to index
        %get3A_307 = arith.index_cast %add3A_295 : i32 to index
        %get3A_308 = arith.constant 16 : index
        %get3A_309 = tpu.vector_load %arg6[%get3A_306, %get3A_307, %get3A_308] {strides = array<i32>} : memref<2x512x32xf32, #tpu.memory_space<vmem>>, vector<16xf32>,
        tpu.vector_store_idx %arg7[%shift_right_logical3A_223, %broadcast_in_dim3A, %and3A_226, %broadcast_in_dim3A_300], %get3A_304 : memref<4x4x8x129xf32, #tpu.memory_space<vmem>>[vector<16xi32>, vector<16xi32>, vector<16xi32>, vector<16xi32>], vector<16xf32>,
        tpu.vector_store_idx %arg7[%add3A_229, %broadcast_in_dim3A, %and3A_226, %broadcast_in_dim3A_300], %get3A_309 : memref<4x4x8x129xf32, #tpu.memory_space<vmem>>[vector<16xi32>, vector<16xi32>, vector<16xi32>, vector<16xi32>], vector<16xf32>,
        %mul3A_310 = arith.constant 8 : i32
        %mul3A_311 = arith.muli %scan3A_291, %mul3A_310 : i32
        %add3A_312 = arith.constant 1 : i32
        %add3A_313 = arith.addi %mul3A_311, %add3A_312 : i32
        %shift_right_logical3A_314 = arith.constant 7 : i32
        %shift_right_logical3A_315 = arith.shrui %add3A_313, %shift_right_logical3A_314 : i32
        %and3A_316 = arith.constant 127 : i32
        %and3A_317 = arith.andi %add3A_313, %and3A_316 : i32
        %broadcast_in_dim3A_318 = vector.broadcast %shift_right_logical3A_315 : i32 to vector<16xi32>
        %broadcast_in_dim3A_319 = vector.broadcast %and3A_317 : i32 to vector<16xi32>
        %get3A_320 = arith.constant 1 : i32
        %get3A_321 = arith.index_cast %get3A_320 : i32 to index
        %get3A_322 = arith.index_cast %add3A_313 : i32 to index
        %get3A_323 = arith.constant 0 : index
        %get3A_324 = tpu.vector_load %arg6[%get3A_321, %get3A_322, %get3A_323] {strides = array<i32>} : memref<2x512x32xf32, #tpu.memory_space<vmem>>, vector<16xf32>,
        %get3A_325 = arith.constant 1 : i32
        %get3A_326 = arith.index_cast %get3A_325 : i32 to index
        %get3A_327 = arith.index_cast %add3A_313 : i32 to index
        %get3A_328 = arith.constant 16 : index
        %get3A_329 = tpu.vector_load %arg6[%get3A_326, %get3A_327, %get3A_328] {strides = array<i32>} : memref<2x512x32xf32, #tpu.memory_space<vmem>>, vector<16xf32>,
        tpu.vector_store_idx %arg7[%shift_right_logical3A_223, %broadcast_in_dim3A_318, %and3A_226, %broadcast_in_dim3A_319], %get3A_324 : memref<4x4x8x129xf32, #tpu.memory_space<vmem>>[vector<16xi32>, vector<16xi32>, vector<16xi32>, vector<16xi32>], vector<16xf32>,
        tpu.vector_store_idx %arg7[%add3A_229, %broadcast_in_dim3A_318, %and3A_226, %broadcast_in_dim3A_319], %get3A_329 : memref<4x4x8x129xf32, #tpu.memory_space<vmem>>[vector<16xi32>, vector<16xi32>, vector<16xi32>, vector<16xi32>], vector<16xf32>,
        %mul3A_330 = arith.constant 8 : i32
        %mul3A_331 = arith.muli %scan3A_291, %mul3A_330 : i32
        %add3A_332 = arith.constant 2 : i32
        %add3A_333 = arith.addi %mul3A_331, %add3A_332 : i32
        %shift_right_logical3A_334 = arith.constant 7 : i32
        %shift_right_logical3A_335 = arith.shrui %add3A_333, %shift_right_logical3A_334 : i32
        %and3A_336 = arith.constant 127 : i32
        %and3A_337 = arith.andi %add3A_333, %and3A_336 : i32
        %broadcast_in_dim3A_338 = vector.broadcast %shift_right_logical3A_335 : i32 to vector<16xi32>
        %broadcast_in_dim3A_339 = vector.broadcast %and3A_337 : i32 to vector<16xi32>
        %get3A_340 = arith.constant 1 : i32
        %get3A_341 = arith.index_cast %get3A_340 : i32 to index
        %get3A_342 = arith.index_cast %add3A_333 : i32 to index
        %get3A_343 = arith.constant 0 : index
        %get3A_344 = tpu.vector_load %arg6[%get3A_341, %get3A_342, %get3A_343] {strides = array<i32>} : memref<2x512x32xf32, #tpu.memory_space<vmem>>, vector<16xf32>,
        %get3A_345 = arith.constant 1 : i32
        %get3A_346 = arith.index_cast %get3A_345 : i32 to index
        %get3A_347 = arith.index_cast %add3A_333 : i32 to index
        %get3A_348 = arith.constant 16 : index
        %get3A_349 = tpu.vector_load %arg6[%get3A_346, %get3A_347, %get3A_348] {strides = array<i32>} : memref<2x512x32xf32, #tpu.memory_space<vmem>>, vector<16xf32>,
        tpu.vector_store_idx %arg7[%shift_right_logical3A_223, %broadcast_in_dim3A_338, %and3A_226, %broadcast_in_dim3A_339], %get3A_344 : memref<4x4x8x129xf32, #tpu.memory_space<vmem>>[vector<16xi32>, vector<16xi32>, vector<16xi32>, vector<16xi32>], vector<16xf32>,
        tpu.vector_store_idx %arg7[%add3A_229, %broadcast_in_dim3A_338, %and3A_226, %broadcast_in_dim3A_339], %get3A_349 : memref<4x4x8x129xf32, #tpu.memory_space<vmem>>[vector<16xi32>, vector<16xi32>, vector<16xi32>, vector<16xi32>], vector<16xf32>,
        %mul3A_350 = arith.constant 8 : i32
        %mul3A_351 = arith.muli %scan3A_291, %mul3A_350 : i32
        %add3A_352 = arith.constant 3 : i32
        %add3A_353 = arith.addi %mul3A_351, %add3A_352 : i32
        %shift_right_logical3A_354 = arith.constant 7 : i32
        %shift_right_logical3A_355 = arith.shrui %add3A_353, %shift_right_logical3A_354 : i32
        %and3A_356 = arith.constant 127 : i32
        %and3A_357 = arith.andi %add3A_353, %and3A_356 : i32
        %broadcast_in_dim3A_358 = vector.broadcast %shift_right_logical3A_355 : i32 to vector<16xi32>
        %broadcast_in_dim3A_359 = vector.broadcast %and3A_357 : i32 to vector<16xi32>
        %get3A_360 = arith.constant 1 : i32
        %get3A_361 = arith.index_cast %get3A_360 : i32 to index
        %get3A_362 = arith.index_cast %add3A_353 : i32 to index
        %get3A_363 = arith.constant 0 : index
        %get3A_364 = tpu.vector_load %arg6[%get3A_361, %get3A_362, %get3A_363] {strides = array<i32>} : memref<2x512x32xf32, #tpu.memory_space<vmem>>, vector<16xf32>,
        %get3A_365 = arith.constant 1 : i32
        %get3A_366 = arith.index_cast %get3A_365 : i32 to index
        %get3A_367 = arith.index_cast %add3A_353 : i32 to index
        %get3A_368 = arith.constant 16 : index
        %get3A_369 = tpu.vector_load %arg6[%get3A_366, %get3A_367, %get3A_368] {strides = array<i32>} : memref<2x512x32xf32, #tpu.memory_space<vmem>>, vector<16xf32>,
        tpu.vector_store_idx %arg7[%shift_right_logical3A_223, %broadcast_in_dim3A_358, %and3A_226, %broadcast_in_dim3A_359], %get3A_364 : memref<4x4x8x129xf32, #tpu.memory_space<vmem>>[vector<16xi32>, vector<16xi32>, vector<16xi32>, vector<16xi32>], vector<16xf32>,
        tpu.vector_store_idx %arg7[%add3A_229, %broadcast_in_dim3A_358, %and3A_226, %broadcast_in_dim3A_359], %get3A_369 : memref<4x4x8x129xf32, #tpu.memory_space<vmem>>[vector<16xi32>, vector<16xi32>, vector<16xi32>, vector<16xi32>], vector<16xf32>,
        %mul3A_370 = arith.constant 8 : i32
        %mul3A_371 = arith.muli %scan3A_291, %mul3A_370 : i32
        %add3A_372 = arith.constant 4 : i32
        %add3A_373 = arith.addi %mul3A_371, %add3A_372 : i32
        %shift_right_logical3A_374 = arith.constant 7 : i32
        %shift_right_logical3A_375 = arith.shrui %add3A_373, %shift_right_logical3A_374 : i32
        %and3A_376 = arith.constant 127 : i32
        %and3A_377 = arith.andi %add3A_373, %and3A_376 : i32
        %broadcast_in_dim3A_378 = vector.broadcast %shift_right_logical3A_375 : i32 to vector<16xi32>
        %broadcast_in_dim3A_379 = vector.broadcast %and3A_377 : i32 to vector<16xi32>
        %get3A_380 = arith.constant 1 : i32
        %get3A_381 = arith.index_cast %get3A_380 : i32 to index
        %get3A_382 = arith.index_cast %add3A_373 : i32 to index
        %get3A_383 = arith.constant 0 : index
        %get3A_384 = tpu.vector_load %arg6[%get3A_381, %get3A_382, %get3A_383] {strides = array<i32>} : memref<2x512x32xf32, #tpu.memory_space<vmem>>, vector<16xf32>,
        %get3A_385 = arith.constant 1 : i32
        %get3A_386 = arith.index_cast %get3A_385 : i32 to index
        %get3A_387 = arith.index_cast %add3A_373 : i32 to index
        %get3A_388 = arith.constant 16 : index
        %get3A_389 = tpu.vector_load %arg6[%get3A_386, %get3A_387, %get3A_388] {strides = array<i32>} : memref<2x512x32xf32, #tpu.memory_space<vmem>>, vector<16xf32>,
        tpu.vector_store_idx %arg7[%shift_right_logical3A_223, %broadcast_in_dim3A_378, %and3A_226, %broadcast_in_dim3A_379], %get3A_384 : memref<4x4x8x129xf32, #tpu.memory_space<vmem>>[vector<16xi32>, vector<16xi32>, vector<16xi32>, vector<16xi32>], vector<16xf32>,
        tpu.vector_store_idx %arg7[%add3A_229, %broadcast_in_dim3A_378, %and3A_226, %broadcast_in_dim3A_379], %get3A_389 : memref<4x4x8x129xf32, #tpu.memory_space<vmem>>[vector<16xi32>, vector<16xi32>, vector<16xi32>, vector<16xi32>], vector<16xf32>,
        %mul3A_390 = arith.constant 8 : i32
        %mul3A_391 = arith.muli %scan3A_291, %mul3A_390 : i32
        %add3A_392 = arith.constant 5 : i32
        %add3A_393 = arith.addi %mul3A_391, %add3A_392 : i32
        %shift_right_logical3A_394 = arith.constant 7 : i32
        %shift_right_logical3A_395 = arith.shrui %add3A_393, %shift_right_logical3A_394 : i32
        %and3A_396 = arith.constant 127 : i32
        %and3A_397 = arith.andi %add3A_393, %and3A_396 : i32
        %broadcast_in_dim3A_398 = vector.broadcast %shift_right_logical3A_395 : i32 to vector<16xi32>
        %broadcast_in_dim3A_399 = vector.broadcast %and3A_397 : i32 to vector<16xi32>
        %get3A_400 = arith.constant 1 : i32
        %get3A_401 = arith.index_cast %get3A_400 : i32 to index
        %get3A_402 = arith.index_cast %add3A_393 : i32 to index
        %get3A_403 = arith.constant 0 : index
        %get3A_404 = tpu.vector_load %arg6[%get3A_401, %get3A_402, %get3A_403] {strides = array<i32>} : memref<2x512x32xf32, #tpu.memory_space<vmem>>, vector<16xf32>,
        %get3A_405 = arith.constant 1 : i32
        %get3A_406 = arith.index_cast %get3A_405 : i32 to index
        %get3A_407 = arith.index_cast %add3A_393 : i32 to index
        %get3A_408 = arith.constant 16 : index
        %get3A_409 = tpu.vector_load %arg6[%get3A_406, %get3A_407, %get3A_408] {strides = array<i32>} : memref<2x512x32xf32, #tpu.memory_space<vmem>>, vector<16xf32>,
        tpu.vector_store_idx %arg7[%shift_right_logical3A_223, %broadcast_in_dim3A_398, %and3A_226, %broadcast_in_dim3A_399], %get3A_404 : memref<4x4x8x129xf32, #tpu.memory_space<vmem>>[vector<16xi32>, vector<16xi32>, vector<16xi32>, vector<16xi32>], vector<16xf32>,
        tpu.vector_store_idx %arg7[%add3A_229, %broadcast_in_dim3A_398, %and3A_226, %broadcast_in_dim3A_399], %get3A_409 : memref<4x4x8x129xf32, #tpu.memory_space<vmem>>[vector<16xi32>, vector<16xi32>, vector<16xi32>, vector<16xi32>], vector<16xf32>,
        %mul3A_410 = arith.constant 8 : i32
        %mul3A_411 = arith.muli %scan3A_291, %mul3A_410 : i32
        %add3A_412 = arith.constant 6 : i32
        %add3A_413 = arith.addi %mul3A_411, %add3A_412 : i32
        %shift_right_logical3A_414 = arith.constant 7 : i32
        %shift_right_logical3A_415 = arith.shrui %add3A_413, %shift_right_logical3A_414 : i32
        %and3A_416 = arith.constant 127 : i32
        %and3A_417 = arith.andi %add3A_413, %and3A_416 : i32
        %broadcast_in_dim3A_418 = vector.broadcast %shift_right_logical3A_415 : i32 to vector<16xi32>
        %broadcast_in_dim3A_419 = vector.broadcast %and3A_417 : i32 to vector<16xi32>
        %get3A_420 = arith.constant 1 : i32
        %get3A_421 = arith.index_cast %get3A_420 : i32 to index
        %get3A_422 = arith.index_cast %add3A_413 : i32 to index
        %get3A_423 = arith.constant 0 : index
        %get3A_424 = tpu.vector_load %arg6[%get3A_421, %get3A_422, %get3A_423] {strides = array<i32>} : memref<2x512x32xf32, #tpu.memory_space<vmem>>, vector<16xf32>,
        %get3A_425 = arith.constant 1 : i32
        %get3A_426 = arith.index_cast %get3A_425 : i32 to index
        %get3A_427 = arith.index_cast %add3A_413 : i32 to index
        %get3A_428 = arith.constant 16 : index
        %get3A_429 = tpu.vector_load %arg6[%get3A_426, %get3A_427, %get3A_428] {strides = array<i32>} : memref<2x512x32xf32, #tpu.memory_space<vmem>>, vector<16xf32>,
        tpu.vector_store_idx %arg7[%shift_right_logical3A_223, %broadcast_in_dim3A_418, %and3A_226, %broadcast_in_dim3A_419], %get3A_424 : memref<4x4x8x129xf32, #tpu.memory_space<vmem>>[vector<16xi32>, vector<16xi32>, vector<16xi32>, vector<16xi32>], vector<16xf32>,
        tpu.vector_store_idx %arg7[%add3A_229, %broadcast_in_dim3A_418, %and3A_226, %broadcast_in_dim3A_419], %get3A_429 : memref<4x4x8x129xf32, #tpu.memory_space<vmem>>[vector<16xi32>, vector<16xi32>, vector<16xi32>, vector<16xi32>], vector<16xf32>,
        %mul3A_430 = arith.constant 8 : i32
        %mul3A_431 = arith.muli %scan3A_291, %mul3A_430 : i32
        %add3A_432 = arith.constant 7 : i32
        %add3A_433 = arith.addi %mul3A_431, %add3A_432 : i32
        %shift_right_logical3A_434 = arith.constant 7 : i32
        %shift_right_logical3A_435 = arith.shrui %add3A_433, %shift_right_logical3A_434 : i32
        %and3A_436 = arith.constant 127 : i32
        %and3A_437 = arith.andi %add3A_433, %and3A_436 : i32
        %broadcast_in_dim3A_438 = vector.broadcast %shift_right_logical3A_435 : i32 to vector<16xi32>
        %broadcast_in_dim3A_439 = vector.broadcast %and3A_437 : i32 to vector<16xi32>
        %get3A_440 = arith.constant 1 : i32
        %get3A_441 = arith.index_cast %get3A_440 : i32 to index
        %get3A_442 = arith.index_cast %add3A_433 : i32 to index
        %get3A_443 = arith.constant 0 : index
        %get3A_444 = tpu.vector_load %arg6[%get3A_441, %get3A_442, %get3A_443] {strides = array<i32>} : memref<2x512x32xf32, #tpu.memory_space<vmem>>, vector<16xf32>,
        %get3A_445 = arith.constant 1 : i32
        %get3A_446 = arith.index_cast %get3A_445 : i32 to index
        %get3A_447 = arith.index_cast %add3A_433 : i32 to index
        %get3A_448 = arith.constant 16 : index
        %get3A_449 = tpu.vector_load %arg6[%get3A_446, %get3A_447, %get3A_448] {strides = array<i32>} : memref<2x512x32xf32, #tpu.memory_space<vmem>>, vector<16xf32>,
        tpu.vector_store_idx %arg7[%shift_right_logical3A_223, %broadcast_in_dim3A_438, %and3A_226, %broadcast_in_dim3A_439], %get3A_444 : memref<4x4x8x129xf32, #tpu.memory_space<vmem>>[vector<16xi32>, vector<16xi32>, vector<16xi32>, vector<16xi32>], vector<16xf32>,
        tpu.vector_store_idx %arg7[%add3A_229, %broadcast_in_dim3A_438, %and3A_226, %broadcast_in_dim3A_439], %get3A_449 : memref<4x4x8x129xf32, #tpu.memory_space<vmem>>[vector<16xi32>, vector<16xi32>, vector<16xi32>, vector<16xi32>], vector<16xf32>,
      }
      %scan3A_235 = arith.constant 64 : i32
      %jit3A_236 = arith.constant 8 : i32
      %div3A_237 = arith.divsi %add3A_196, %jit3A_236 : i32
      %sign3A_238 = arith.constant 0 : i32
      %sign3A_239 = arith.cmpi sgt, %add3A_196, %sign3A_238 : i32
      %sign3A_240 = arith.extui %sign3A_239 : i1 to i32
      %sign3A_241 = arith.constant 0 : i32
      %sign3A_242 = arith.cmpi slt, %add3A_196, %sign3A_241 : i32
      %sign3A_243 = arith.extui %sign3A_242 : i1 to i32
      %sign3A_244 = arith.subi %sign3A_240, %sign3A_243 : i32
      %sign3A_245 = arith.constant 0 : i32
      %sign3A_246 = arith.cmpi sgt, %jit3A_236, %sign3A_245 : i32
      %sign3A_247 = arith.extui %sign3A_246 : i1 to i32
      %sign3A_248 = arith.constant 0 : i32
      %sign3A_249 = arith.cmpi slt, %jit3A_236, %sign3A_248 : i32
      %sign3A_250 = arith.extui %sign3A_249 : i1 to i32
      %sign3A_251 = arith.subi %sign3A_247, %sign3A_250 : i32
      %ne3A_252 = arith.cmpi ne, %sign3A_244, %sign3A_251 : i32
      %rem3A_253 = arith.remsi %add3A_196, %jit3A_236 : i32
      %ne3A_254 = arith.constant 0 : i32
      %ne3A_255 = arith.cmpi ne, %rem3A_253, %ne3A_254 : i32
      %and3A_256 = arith.andi %ne3A_252, %ne3A_255 : i1
      %sub3A_257 = arith.constant 1 : i32
      %sub3A_258 = arith.subi %div3A_237, %sub3A_257 : i32
      %select_n3A_259 = arith.select %and3A_256, %sub3A_258, %div3A_237 : i32
      %rem3A_260 = arith.constant 8 : i32
      %rem3A_261 = arith.remsi %add3A_196, %rem3A_260 : i32
      %mul3A_262 = arith.constant 4 : i32
      %mul3A_263 = arith.muli %rem3A_261, %mul3A_262 : i32
      %dma_start3A_264 = arith.constant 0 : i32
      %dma_start3A_265 = arith.constant 0 : i32
      %dma_start3A_266 = arith.constant 0 : i32
      %dma_start3A_267 = arith.constant 0 : i32
      %dma_start3A_268 = tpu.memref_slice %arg7[%dma_start3A_264, %dma_start3A_265, %dma_start3A_266, %dma_start3A_267] : memref<4x4x8x129xf32, #tpu.memory_space<vmem>> -> memref<4x4x8x128xf32, #tpu.memory_space<vmem>>
      %dma_start3A_269 = arith.constant 0 : i32
      %dma_start3A_270 = arith.constant 0 : i32
      %dma_start3A_271 = arith.constant 0 : i32
      %dma_start3A_272 = tpu.memref_slice %arg4[%select_n3A_259, %dma_start3A_269, %mul3A_263, %dma_start3A_270, %dma_start3A_271] : memref<200x4x32x8x128xf32, #tpu.memory_space<hbm>> -> memref<1x4x4x8x128xf32, #tpu.memory_space<hbm>>
      %dma_start3A_273 = tpu.memref_squeeze %dma_start3A_272 : memref<1x4x4x8x128xf32, #tpu.memory_space<hbm>> -> memref<4x4x8x128xf32, #tpu.memory_space<hbm>>
      %dma_start3A_274 = arith.constant 0 : i32
      %dma_start3A_275 = arith.constant 0 : i32
      %dma_start3A_276 = arith.constant 0 : i32
      %dma_start3A_277 = tpu.memref_slice %arg4[%select_n3A_259, %dma_start3A_274, %mul3A_263, %dma_start3A_275, %dma_start3A_276] : memref<200x4x32x8x128xf32, #tpu.memory_space<hbm>> -> memref<1x4x4x8x128xf32, #tpu.memory_space<hbm>>
      %dma_start3A_278 = tpu.memref_squeeze %dma_start3A_277 : memref<1x4x4x8x128xf32, #tpu.memory_space<hbm>> -> memref<4x4x8x128xf32, #tpu.memory_space<hbm>>
      %dma_start3A_279 = arith.constant 0 : i32
      %dma_start3A_280 = arith.constant 0 : i32
      %dma_start3A_281 = arith.constant 0 : i32
      %dma_start3A_282 = arith.constant 0 : i32
      %dma_start3A_283 = tpu.memref_slice %arg7[%dma_start3A_279, %dma_start3A_280, %dma_start3A_281, %dma_start3A_282] : memref<4x4x8x129xf32, #tpu.memory_space<vmem>> -> memref<4x4x8x128xf32, #tpu.memory_space<vmem>>
      tpu.enqueue_dma source(%dma_start3A_283 : memref<4x4x8x128xf32, #tpu.memory_space<vmem>>) target(%dma_start3A_278 : memref<4x4x8x128xf32, #tpu.memory_space<hbm>>) target_semaphore(%arg12 : memref<!tpu.dma_semaphore, #tpu.memory_space<semaphore_mem>>)
      %add3A_284 = arith.constant 2 : i32
      %add3A_285 = arith.addi %add3A_195, %add3A_284 : i32
      %lt3A_286 = arith.constant 50 : i32
      %lt3A_287 = arith.cmpi slt, %add3A_285, %lt3A_286 : i32
      %convert_element_type3A_288 = arith.extui %lt3A_287 : i1 to i32
      %cond3A_289 = arith.constant 0 : i32
      %cond3A_290 = arith.cmpi ne, %convert_element_type3A_288, %cond3A_289 : i32
      scf.if %cond3A_290 {
        %add3A_291 = arith.constant 2 : i32
        %add3A_292 = arith.addi %add3A_196, %add3A_291 : i32
        %mul3A_293 = arith.constant 512 : i32
        %mul3A_294 = arith.muli %add3A_292, %mul3A_293 : i32
        %dma_wait3A_295 = arith.constant 1 : i32
        %dma_wait3A_296 = arith.constant 0 : i32
        %dma_wait3A_297 = tpu.memref_slice %arg5[%dma_wait3A_295, %dma_wait3A_296] : memref<2x512xi32, #tpu.memory_space<vmem>> -> memref<1x512xi32, #tpu.memory_space<vmem>>
        %dma_wait3A_298 = tpu.memref_squeeze %dma_wait3A_297 : memref<1x512xi32, #tpu.memory_space<vmem>> -> memref<512xi32, #tpu.memory_space<vmem>>
        %dma_wait3A_299 = tpu.memref_slice %arg2[%mul3A_294] : memref<819200xi32, #tpu.memory_space<hbm>> -> memref<512xi32, #tpu.memory_space<hbm>>
        %dma_wait3A_300 = arith.constant 0 : i32
        %dma_wait3A_301 = tpu.memref_slice %arg5[%dma_wait3A_295, %dma_wait3A_300] : memref<2x512xi32, #tpu.memory_space<vmem>> -> memref<1x512xi32, #tpu.memory_space<vmem>>
        %dma_wait3A_302 = tpu.memref_squeeze %dma_wait3A_301 : memref<1x512xi32, #tpu.memory_space<vmem>> -> memref<512xi32, #tpu.memory_space<vmem>>
        %dma_wait3A_303 = tpu.memref_slice %arg2[%mul3A_294] : memref<819200xi32, #tpu.memory_space<hbm>> -> memref<512xi32, #tpu.memory_space<hbm>>
        tpu.wait_dma2 semaphore(%arg9 : memref<!tpu.dma_semaphore, #tpu.memory_space<semaphore_mem>>) src(%dma_wait3A_303 : memref<512xi32, #tpu.memory_space<hbm>>) dst(%dma_wait3A_302 : memref<512xi32, #tpu.memory_space<vmem>>)
        %dma_start3A_304 = arith.constant 1 : i32
        %dma_start3A_305 = arith.constant 1 : i32
        %dma_start3A_306 = arith.constant 0 : i32
        %dma_start3A_307 = arith.constant 0 : i32
        %dma_start3A_308 = tpu.memref_slice %arg6[%dma_start3A_305, %dma_start3A_306, %dma_start3A_307] : memref<2x512x32xf32, #tpu.memory_space<vmem>> -> memref<1x512x32xf32, #tpu.memory_space<vmem>>
        %dma_start3A_309 = tpu.memref_squeeze %dma_start3A_308 : memref<1x512x32xf32, #tpu.memory_space<vmem>> -> memref<512x32xf32, #tpu.memory_space<vmem>>
        %dma_start3A_310 = arith.constant 0 : i32
        %dma_start3A_311 = tpu.memref_slice %arg5[%dma_start3A_304, %dma_start3A_310] : memref<2x512xi32, #tpu.memory_space<vmem>> -> memref<1x512xi32, #tpu.memory_space<vmem>>
        %dma_start3A_312 = tpu.memref_squeeze %dma_start3A_311 : memref<1x512xi32, #tpu.memory_space<vmem>> -> memref<512xi32, #tpu.memory_space<vmem>>
        %dma_start3A_313 = arith.constant 0 : i32
        %dma_start3A_314 = arith.constant 0 : i32
        %dma_start3A_315 = tpu.memref_slice %arg3[%dma_start3A_313, %dma_start3A_314] : memref<1000000x32xf32, #tpu.memory_space<hbm>> -> memref<1000000x32xf32, #tpu.memory_space<hbm>>
        tpu.enqueue_indirect_dma source(%dma_start3A_315 : memref<1000000x32xf32, #tpu.memory_space<hbm>>) target(%dma_start3A_309 : memref<512x32xf32, #tpu.memory_space<vmem>>) offsets(%dma_start3A_312 : memref<512xi32, #tpu.memory_space<vmem>>) semaphore(%arg11 : memref<!tpu.dma_semaphore, #tpu.memory_space<semaphore_mem>>)
      } else {
      }
    }
    %scan3A_81 = arith.constant 25 : i32
    %dma_wait3A_82 = arith.constant 0 : i32
    %dma_wait3A_83 = arith.constant 0 : i32
    %dma_wait3A_84 = arith.constant 0 : i32
    %dma_wait3A_85 = arith.constant 0 : i32
    %dma_wait3A_86 = arith.constant 0 : i32
    %dma_wait3A_87 = tpu.memref_slice %arg7[%dma_wait3A_83, %dma_wait3A_84, %dma_wait3A_85, %dma_wait3A_86] : memref<4x4x8x129xf32, #tpu.memory_space<vmem>> -> memref<4x4x8x128xf32, #tpu.memory_space<vmem>>
    %dma_wait3A_88 = arith.constant 0 : i32
    %dma_wait3A_89 = arith.constant 0 : i32
    %dma_wait3A_90 = arith.constant 0 : i32
    %dma_wait3A_91 = arith.constant 0 : i32
    %dma_wait3A_92 = tpu.memref_slice %arg4[%dma_wait3A_82, %dma_wait3A_88, %dma_wait3A_89, %dma_wait3A_90, %dma_wait3A_91] : memref<200x4x32x8x128xf32, #tpu.memory_space<hbm>> -> memref<1x4x4x8x128xf32, #tpu.memory_space<hbm>>
    %dma_wait3A_93 = tpu.memref_squeeze %dma_wait3A_92 : memref<1x4x4x8x128xf32, #tpu.memory_space<hbm>> -> memref<4x4x8x128xf32, #tpu.memory_space<hbm>>
    %dma_wait3A_94 = arith.constant 0 : i32
    %dma_wait3A_95 = arith.constant 0 : i32
    %dma_wait3A_96 = arith.constant 0 : i32
    %dma_wait3A_97 = arith.constant 0 : i32
    %dma_wait3A_98 = tpu.memref_slice %arg4[%dma_wait3A_82, %dma_wait3A_94, %dma_wait3A_95, %dma_wait3A_96, %dma_wait3A_97] : memref<200x4x32x8x128xf32, #tpu.memory_space<hbm>> -> memref<1x4x4x8x128xf32, #tpu.memory_space<hbm>>
    %dma_wait3A_99 = tpu.memref_squeeze %dma_wait3A_98 : memref<1x4x4x8x128xf32, #tpu.memory_space<hbm>> -> memref<4x4x8x128xf32, #tpu.memory_space<hbm>>
    %dma_wait3A_100 = arith.constant 0 : i32
    %dma_wait3A_101 = arith.constant 0 : i32
    %dma_wait3A_102 = arith.constant 0 : i32
    %dma_wait3A_103 = arith.constant 0 : i32
    %dma_wait3A_104 = tpu.memref_slice %arg7[%dma_wait3A_100, %dma_wait3A_101, %dma_wait3A_102, %dma_wait3A_103] : memref<4x4x8x129xf32, #tpu.memory_space<vmem>> -> memref<4x4x8x128xf32, #tpu.memory_space<vmem>>
    tpu.wait_dma2 semaphore(%arg12 : memref<!tpu.dma_semaphore, #tpu.memory_space<semaphore_mem>>) src(%dma_wait3A_104 : memref<4x4x8x128xf32, #tpu.memory_space<vmem>>) dst(%dma_wait3A_99 : memref<4x4x8x128xf32, #tpu.memory_space<hbm>>)
    return
  }
}

</mosaic_0001>

<sc_bundles>
// kernel: kernel.3.cloned.1.call-start
scs
__scs_entry_jumppad:
0x0: {  	(pc) =	sbr.rel $0x88, $3  }
0x1: {  	(tag) =	ssettag $0x0;
	lr =	simm.s32 $0x1  }
0x2: {  	[smem:$0x3F9F] =	sst lr;
	_ =	strace $0xD0000000  }
0x3: {  	_ = 	snop  }
0x4: {  	_ = 	snop  }
0x5: {  	_ = 	snop  }
0x6: {  	_ = 	snop  }
0x7: {  	_ = 	snop  }
__scs_overlays_trampoline_lowered:
0x8: {  	[smem:$0x3FAE] =	sst s0  }
0x9: {  	[smem:$0x3FAF] =	sst s1  }
0xa: {  	[smem:$0x3FB0] =	sst s2  }
0xb: {  	[smem:$0x3FB1] =	sst s3  }
0xc: {  	[smem:$0x3FB2] =	sst s4  }
0xd: {  	[smem:$0x3FB3] =	sst s5  }
0xe: {  	[smem:$0x3FB4] =	sst s6  }
0xf: {  	[smem:$0x3FB5] =	sst s7  }
0x10: {  	[smem:$0x3FB6] =	sst s8  }
0x11: {  	[smem:$0x3FB7] =	sst s9;
	s0 =	simm.s32 @!p0 $0x0  }
0x12: {  	s1 =	sld [smem:$0x3F9D];
	s0 =	simm.s32 @p0 $0x1  }
0x13: {  	[smem:$0x3FB8] =	sst s0;
	s0 =	simm.s32 @!p1 $0x0  }
0x14: {  	s2 =	sld [smem:$0x3F9C];
	s0 =	simm.s32 @p1 $0x1  }
0x15: {  	[smem:$0x3FB9] =	sst s0;
	s0 =	simm.s32 @!p2 $0x0  }
0x16: {  	s3 =	sld [smem:$0x3FDB];
	s0 =	simm.s32 @p2 $0x1  }
0x17: {  	s4 =	simm.s32 $0x1BF5;
	[smem:$0x3FBB] =	sst s0  }
0x18: {  	s0 =	sld [smem:$0x3F9E];
	_ =	swait.ge [sflag:s4], $0x0  }
0x19: {  	s7 =	sld [smem:$0x3F9F]  }
0x1a: {  	s8 =	sadd.s32 $0xFFFFE003, lr  }
0x1b: {  	s9 =	sadd.s32 $0xFFFFFEF7, lr;
	s5 =	simm.s32 $0xFFFFFFFF;
	p2 =	slt.u32 s8, $0xFFFFF086  }
0x1c: {  	p1 =	slt.u32 s9, $0xF7A;
	s5 =	simm.s32 @!p2 $0x0  }
0x1d: {  	s5 =	simm.s32 @p1 $0x1;
	p0 =	seq.s32 s7, s2  }
0x1e: {  	s7 =	smul.u32 @!p0 $0xF7A, s2;
	p2 =	seq.s32 @!p0 s5, $0x0  }
0x1f: {  	s9 =	smul.u32 $0xF7A, s1;
	s8 =	simm.s32 @!p0 $0x1BF5;
	p2 =	por !p2, p0  }
0x20: {  	[sflag:s8] =	ssyncset.s32 @!p0 $0xFFFFF086;
	s6 =	sadd.s32 @!p0 s3, s7;
	s7 =	simm.s32 @!p0 $0x108  }
0x21: {  	s3 =	sadd.s32 s3, s9;
	s6 =	sadd.s32 @!p0 $0x88, s6;
	s7 =	simm.s32 @p2 $0x1082  }
0x22: {  	[simem:s7], [sflag:s8] =	dma.local @!p0 [hbm:s6], $0xF7A  }
0x23: {  	s9 =	sor.u32 $0xD0000000, s2;
	s6 =	simm.s32 $0x108;
	_ =	swait.ge @!p0 [sflag:s8], $0x0  }
0x24: {  	s3 =	sadd.s32 $0x88, s3;
	s6 =	simm.s32 @!p1 $0x1082;
	[sflag:s4] =	ssyncset.s32 $0xFFFFF086  }
0x25: {  	[simem:s6], [sflag:s4] =	dma.local [hbm:s3], $0xF7A  }
0x26: {  	[smem:$0x3F9F] =	sst s1;
	(tag) =	ssettag s2;
	_ =	strace s9  }
0x27: {  	s1 =	sld [smem:$0x3FAF]  }
0x28: {  	s2 =	sld [smem:$0x3FB0]  }
0x29: {  	s4 =	sld [smem:$0x3FB2]  }
0x2a: {  	p0 =	seq.s32 s5, $0x0;
	s5 =	sld [smem:$0x3FB3]  }
0x2b: {  	s6 =	sld [smem:$0x3FB4]  }
0x2c: {  	s7 =	sld [smem:$0x3FB5]  }
0x2d: {  	s3 =	simm.s32 $0x108;
	s8 =	sld [smem:$0x3FB6]  }
0x2e: {  	s3 =	simm.s32 @!p0 $0x1082;
	s9 =	sld [smem:$0x3FB7]  }
0x2f: {  	lr =	sadd.s32 s0, s3;
	s0 =	sld [smem:$0x3FAE]  }
0x30: {  	s3 =	sld [smem:$0x3FB1]  }
0x31: {  	[smem:$0x3FBA] =	sst s10  }
0x32: {  	s10 =	sld [smem:$0x3FB8];
	_ =	sdelay $0x3  }
0x33: {  	p0 =	seq.s32 s10, $0x1;
	s10 =	sld [smem:$0x3FBA];
	_ =	sdelay $0x3  }
0x34: {  	[smem:$0x3FBA] =	sst s10  }
0x35: {  	s10 =	sld [smem:$0x3FB9];
	_ =	sdelay $0x3  }
0x36: {  	p1 =	seq.s32 s10, $0x1;
	s10 =	sld [smem:$0x3FBA];
	_ =	sdelay $0x3  }
0x37: {  	[smem:$0x3FBA] =	sst s10  }
0x38: {  	s10 =	sld [smem:$0x3FBB]  }
0x39: {  	_ = 	snop;
	(pc) =	sbr.ind lr, $3  }
0x3a: {  	_ = 	snop  }
0x3b: {  	_ = 	snop  }
0x3c: {  	p2 =	seq.s32 s10, $0x1;
	s10 =	sld [smem:$0x3FBA]  }
0x3d: {  	_ =	shalt  }
0x3e: {  	_ =	shalt  }
0x3f: {  	_ =	shalt  }
0x40: {  	_ =	shalt  }
0x41: {  	_ =	shalt  }
0x42: {  	_ =	shalt  }
0x43: {  	_ =	shalt  }
0x44: {  	_ =	shalt  }
0x45: {  	_ =	shalt  }
0x46: {  	_ =	shalt  }
0x47: {  	_ =	shalt  }
0x48: {  	_ =	shalt  }
0x49: {  	_ =	shalt  }
0x4a: {  	_ =	shalt  }
0x4b: {  	_ =	shalt  }
0x4c: {  	_ =	shalt  }
0x4d: {  	_ =	shalt  }
0x4e: {  	_ =	shalt  }
0x4f: {  	_ =	shalt  }
0x50: {  	_ =	shalt  }
0x51: {  	_ =	shalt  }
0x52: {  	_ =	shalt  }
0x53: {  	_ =	shalt  }
0x54: {  	_ =	shalt  }
0x55: {  	_ =	shalt  }
0x56: {  	_ =	shalt  }
0x57: {  	_ =	shalt  }
0x58: {  	_ =	shalt  }
0x59: {  	_ =	shalt  }
0x5a: {  	_ =	shalt  }
0x5b: {  	_ =	shalt  }
0x5c: {  	_ =	shalt  }
0x5d: {  	_ =	shalt  }
0x5e: {  	_ =	shalt  }
0x5f: {  	_ =	shalt  }
0x60: {  	_ =	shalt  }
0x61: {  	_ =	shalt  }
0x62: {  	_ =	shalt  }
0x63: {  	_ =	shalt  }
0x64: {  	_ =	shalt  }
0x65: {  	_ =	shalt  }
0x66: {  	_ =	shalt  }
0x67: {  	_ =	shalt  }
0x68: {  	_ =	shalt  }
0x69: {  	_ =	shalt  }
0x6a: {  	_ =	shalt  }
0x6b: {  	_ =	shalt  }
0x6c: {  	_ =	shalt  }
0x6d: {  	_ =	shalt  }
0x6e: {  	_ =	shalt  }
0x6f: {  	_ =	shalt  }
0x70: {  	_ =	shalt  }
0x71: {  	_ =	shalt  }
0x72: {  	_ =	shalt  }
0x73: {  	_ =	shalt  }
0x74: {  	_ =	shalt  }
0x75: {  	_ =	shalt  }
0x76: {  	_ =	shalt  }
0x77: {  	_ =	shalt  }
0x78: {  	_ =	shalt  }
0x79: {  	_ =	shalt  }
0x7a: {  	_ =	shalt  }
0x7b: {  	_ =	shalt  }
0x7c: {  	_ =	shalt  }
0x7d: {  	_ =	shalt  }
0x7e: {  	_ =	shalt  }
0x7f: {  	_ =	shalt  }
0x80: {  	_ =	shalt  }
0x81: {  	_ =	shalt  }
0x82: {  	_ =	shalt  }
0x83: {  	_ =	shalt  }
0x84: {  	_ =	shalt  }
0x85: {  	_ =	shalt  }
0x86: {  	_ =	shalt  }
0x87: {  	_ =	shalt  }
.Lfunc_end0:
.L_simem_size_0:
called_computation_lowered:
.L_overlay_start_0:
0x88: {  	s2 =	sld [smem:$0x3FD9]  }
0x89: {  	s3 =	sld [smem:$0x3FFE];
	_ =	sdelay $0x1  }
0x8a: {  	s1 =	srdreg.scid  }
0x8b: {  	s0 =	sand.u32 $0x1, s1  }
0x8c: {  	s17 =	sshll.u32 s0, $0xA;
	s2 =	sadd.s32 s3, s2  }
0x8d: {  	s2 =	sadd.s32 s2, s17  }
0x8e: {  	[smem:$0x3FC6] =	sst s2  }
0x8f: {  	_ = 	snop  }
0x90: {  	s2 =	sld [smem:$0x3FD0];
	(tm) =	ssettm $0x1  }
0x91: {  	s18 =	sld [smem:$0x3FFB];
	_ =	sdelay $0x3  }
0x92: {  	_ =	strace s18  }
0x93: {  	s3 =	sld [smem:$0x3FFC];
	_ =	sdelay $0x3  }
0x94: {  	_ =	strace s3  }
0x95: {  	s3 =	sld [smem:$0x3FFD];
	_ =	sdelay $0x3  }
0x96: {  	_ =	strace s3  }
0x97: {  	_ =	strace $0x8FFFFFFF  }
0x98: {  	s19 =	sld [smem:$0x3FDB];
	_ =	sdelay $0x1  }
0x99: {  	s4 =	simm.s32 $_scs_section_size  }
0x9a: {  	s5 =	simm.s32 $_size__tile_overlayer_lowered;
	s6 =	simm.s32 $_tile_overlayer_lowered  }
0x9b: {  	s22 =	simm.s32 $0x1BFF;
	s21 =	sshll.u32 s6, $0x1;
	s3 =	sadd.s32 s4, s19  }
0x9c: {  	s7 =	simm.s32 $0x0;
	s20 =	sshll.u32 s5, $0x1;
	s5 =	sadd.s32 s21, s3  }
0x9d: {  	[timem:s7], [sflag:s22] =	dma.local [hbm:s5], s20  }
0x9e: {  	_ =	swait.ge [sflag:s22], s20  }
0x9f: {  	s4 =	ssub.s32 $0x0, s20;
	[sflag:s22] =	ssyncset.done $0x0  }
0xa0: {  	[sflag:s22] =	ssyncadd.s32 s4;
	_ =	sdelay $0x1  }
0xa1: {  	s23 =	simm.s32 $0x1B8B  }
0xa2: {  	_ =	swait.ge [sflag:s23], $0x1  }
0xa3: {  	[sflag:s23] =	ssyncset.done $0x0  }
0xa4: {  	s25 =	simm.s32 $0x1B8E;
	s24 =	sld [smem:$0x3FFE];
	[sflag:s23] =	ssyncadd.s32 $0xFFFFFFFF  }
0xa5: {  	s26 =	simm.s32 $execute0_lowered;
	[smem:$0x3FD2] =	sst s25  }
0xa6: {  	s5 =	sshll.u32 s26, $0x1;
	_ =	strace $0x80000046;
	[dreg:$0x1] =	wrdreg $0xFFFFFFFF  }
0xa7: {  	s28 =	simm.s32 $_size_execute0_lowered;
	s3 =	sadd.s32 s3, s5;
	[dreg:$0x0] =	wrdreg $0x0  }
0xa8: {  	s5 =	sshll.u32 s28, $0x1;
	[dreg:$0x2] =	wrdreg s3  }
0xa9: {  	[dreg:$0x3] =	wrdreg s5  }
0xaa: {  	[dreg:$0x4] =	wrdreg $0xC0  }
0xab: {  	_ =	task [dreg:s7], $0x5FFFF  }
0xac: {  	[dreg:$0x1] =	wrdreg $0xFFFFFFFF  }
0xad: {  	[dreg:$0x0] =	wrdreg $0x60  }
0xae: {  	[dreg:$0x2] =	wrdreg s24  }
0xaf: {  	[dreg:$0x3] =	wrdreg s2  }
0xb0: {  	[dreg:$0x4] =	wrdreg $0x9  }
0xb1: {  	_ =	task.clear_ibuf [dreg:s7], $0x5FFFF;
	_ =	strace $0x90000046  }
0xb2: {  	s29 =	simm.s32 $0x9;
	_ =	strace $0x80000048  }
0xb3: {  	_ =	swait.ge [sflag:s29], $0x1  }
0xb4: {  	[sflag:s29] =	ssyncadd.s32 $0xFFFFFFFF  }
0xb5: {  	_ =	strace $0x90000048  }
0xb6: {  	_ =	sfence  }
0xb7: {  	s30 =	sld [smem:$0x0];
	_ =	sdelay $0x2  }
0xb8: {  	s31 =	sshll.u32 s1, $0xD;
	s1 =	sshrl.u32 s1, $0x2  }
0xb9: {  	s3 =	sand.u32 $0x4000, s31;
	s1 =	sadd.s32 s1, s30  }
0xba: {  	s0 =	sor.u32 s3, s0;
	s1 =	sshll.u32 s1, $0x11  }
0xbb: {  	s0 =	sor.u32 s1, s0  }
0xbc: {  	s0 =	sadd.s32 $0x8F2B, s0  }
0xbd: {  	[sflag:s0] =	ssyncadd.remote.s32 $0x1  }
0xbe: {  	_ =	sfence.sel $0xFFFF  }
0xbf: {  	[dreg:$0x0] =	wrdreg $0xFFFFFFFF;
	(pc) =	sbr.abs _section_cstart, $3  }
0xc0: {  	[dreg:$0x1] =	wrdreg $0xFFFFFFFF  }
0xc1: {  	_ =	task.clear_ibuf [dreg:s7], $0x2FFFF;
	_ =	strace $0x9FFFFFFF  }
0xc2: {  	(tm) =	ssettm $0x7FFFFFFF  }
0xc3: {  	_ =	shalt  }
tec
execute0_lowered:
.L_overlay_start_1:
0x0: {  	(tag) =	ssettag $0x1  }
0x1: {  	v0 =	vimm.s32 $0x14B8  }
0x2: {  	vm0 =	vcmask $0x300;
	vm1 =	vcmask $0x704;
	v1 =	vimm.s32 $0x36B8  }
0x3: {  	vm2 =	vcmask $0xB08;
	v0 =	vsel vm0, $0x0, v0;
	v1 =	vsel vm0, $0x2200, v1  }
0x4: {  	vm3 =	vcmask $0xF0C;
	v0 =	vsel vm1, $0x88, v0;
	v1 =	vsel vm1, $0x2288, v1  }
0x5: {  	vm15 =	vcmask $0x1310;
	v0 =	vsel vm2, $0x110, v0;
	v1 =	vsel vm2, $0x2310, v1  }
0x6: {  	vm6 =	vcmask $0x1714;
	v0 =	vsel vm3, $0x198, v0;
	v1 =	vsel vm3, $0x2398, v1  }
0x7: {  	s8 =	rddreg [dreg:$0x0];
	s1 =	srdreg.scid;
	vm7 =	vcmask $0x1B18;
	v0 =	vsel vm15, $0x220, v0;
	v1 =	vsel vm15, $0x2420, v1  }
0x8: {  	s0 =	stileid.u32;
	s2 =	rddreg [dreg:$0x1];
	vm8 =	vcmask $0x1F1C;
	s3 =	simm.s32 $0x0;
	v0 =	vsel vm6, $0x2A8, v0;
	v1 =	vsel vm6, $0x24A8, v1  }
0x9: {  	vm9 =	vcmask $0x2320;
	s11 =	simm.s32 $0x1;
	s12 =	simm.s32 $0x400;
	s13 =	simm.s32 $0x2;
	v0 =	vsel vm7, $0x330, v0;
	v1 =	vsel vm7, $0x2530, v1  }
0xa: {  	vm10 =	vcmask $0x2724;
	s14 =	simm.s32 $0x4400;
	s15 =	simm.s32 $0x3;
	s16 =	simm.s32 $0x8400;
	v0 =	vsel vm8, $0x3B8, v0;
	v1 =	vsel vm8, $0x25B8, v1  }
0xb: {  	vm11 =	vcmask $0x2B28;
	s17 =	simm.s32 $0x4;
	s18 =	simm.s32 $0x5;
	s19 =	simm.s32 $0x0;
	v0 =	vsel vm9, $0x1100, v0;
	v1 =	vsel vm9, $0x3300, v1  }
0xc: {  	vm12 =	vcmask $0x2F2C;
	s4 =	sand.u32 $0x1, s1;
	s5 =	sshll.u32 s0, $0x1;
	[smem:$0x7FF] =	sst s3;
	v0 =	vsel vm10, $0x1188, v0;
	v1 =	vsel vm10, $0x3388, v1  }
.Ltmp0:
0xd: {  	vm13 =	vcmask $0x3330;
	s5 =	sor.u32 s4, s5;
	s7 =	ssub.s32 $0x2, s4;
	v0 =	vsel vm11, $0x1210, v0;
	v1 =	vsel vm11, $0x3410, v1;
	(pc) =	sbr.rel .LBB2_1-.Ltmp0, $4  }
0xe: {  	vm14 =	vcmask $0x3734;
	_ =	strace $0x80000047;
	s6 =	smul.u32 $0xC80, s5;
	s9 =	sshrl.u32 s7, $0x1;
	v0 =	vsel vm12, $0x1298, v0;
	v1 =	vsel vm12, $0x3498, v1  }
0xf: {  	v2 =	vimm.s32 $0x0;
	s4 =	sadd.s32 $0xF42A00, s8;
	s5 =	smul.u32 $0x32, s5;
	s9 =	ssub.s32 s7, s9;
	v0 =	vsel vm13, $0x1320, v0;
	v1 =	vsel vm13, $0x3520, v1  }
0x10: {  	s10 =	sadd.s32 s6, s8;
	s8 =	sadd.s32 $0x680, s8;
	s9 =	smax.u32 s9, $0x1;
	vm15 =	vcmask $0x3B38;
	v0 =	vsel vm14, $0x13A8, v0;
	v3 =	vsel vm14, $0x35A8, v1  }
0x11: {  	s6 =	sadd.s32 $0x600, s10;
	s7 =	sadd.s32 $0x640, s10;
	s10 =	simm.s32 $0x200;
	v1 =	vsel vm0, $0x3, v2;
	v0 =	vsel vm15, $0x1430, v0;
	v2 =	vsel vm15, $0x3630, v3  }
.LBB2_24:
0x12: {  	s19 =	sadd.s32 $0x1, s19  }
0x13: {  	p0 =	sne.s32 s19, s9  }
.Ltmp1:
0x14: {  	_ = 	snop;
	(pc) =	sbr.rel @!p0 .LBB2_25-.Ltmp1, $4  }
0x15: {  	_ = 	snop  }
0x16: {  	_ =	swait.ge [sflag:s18], $0x4000  }
0x17: {  	[sflag:s18] =	ssyncset.done $0x0  }
0x18: {  	[sflag:s18] =	ssyncadd.s32 $0xFFFFC000  }
.LBB2_1:
0x19: {  	[tilespmem:s3], [sflag:$0x1] =	stream.linear.gather [hbm4b:s6+s3], $0x200, $0x38;
	[tilespmem:$0xC800] =	vst v63  }
0x1a: {  	_ = 	snop  }
0x1b: {  	[tilespmem:s10], [sflag:$0x2] =	stream.linear.gather [hbm4b:s7+s3], $0x200, $0x38;
	[tilespmem:$0xC800] =	vst v63  }
0x1c: {  	_ =	swait.ge [sflag:s11], $0x200  }
0x1d: {  	[sflag:s11] =	ssyncset.done $0x0  }
0x1e: {  	[sflag:s11] =	ssyncadd.s32 $0xFFFFFE00  }
0x1f: {  	[tilespmem:s12], [sflag:$0x3] =	stream.indirect.gather [hbm4b:s4+s10], $0x20, s3, s10, $0xb8;
	[tilespmem:$0xC800] =	vst v63  }
0x20: {  	_ =	swait.ge [sflag:s13], $0x200  }
0x21: {  	[sflag:s13] =	ssyncset.done $0x0  }
0x22: {  	s20 =	simm.s32 $0x0;
	[sflag:s13] =	ssyncadd.s32 $0xFFFFFE00  }
0x23: {  	[tilespmem:s14], [sflag:$0x4] =	stream.indirect.gather [hbm4b:s4+s10], $0x20, s10, s10, $0xb8;
	[tilespmem:$0xC800] =	vst v63  }
.LBB2_2:
0x24: {  	s21 =	sshll.u32 s20, $0x1;
	_ =	swait.ge [sflag:s15], $0x4000  }
0x25: {  	p0 =	seq.s32 s20, $0x18;
	s31 =	simm.s32 $0x0;
	s22 =	sadd.s32 s5, s21  }
0x26: {  	s1 =	simm.s32 $0x0;
	[sflag:s15] =	ssyncset.done $0x0;
	s23 =	sshll.u32 @!p0 s22, $0x6  }
0x27: {  	s24 =	simm.s32 @!p0 $0x0;
	[sflag:s15] =	ssyncadd.s32 $0xFFFFC000;
	s23 =	sadd.s32 @!p0 s23, s8  }
0x28: {  	[tilespmem:s24], [sflag:$0x1] =	stream.linear.gather @!p0 [hbm4b:s23+s24], $0x200, $0x38;
	[tilespmem:$0xC800] =	vst v63  }
0x29: {  	v3 =	vmov s1;
	s23 =	sand.u32 $0x78, s31  }
0x2a: {  	p1 =	seq.s32 @!p0 s20, $0x0;
	v3 =	vmul.u32 $0x440, v3;
	v4 =	vmov s23  }
0x2b: {  	p1 =	por p0, !p1;
	v4 =	vshrl.u32 v4, $0x3  }
0x2c: {  	v3 =	vbroadcast v3, $0x0;
	_ =	swait.ge @p1 [sflag:s18], $0x4000;
	v4 =	vshll.u32 v4, v1  }
0x2d: {  	[sflag:s18] =	ssyncset.done @p1 $0x0;
	v4 =	vbroadcast v4, $0x0  }
0x2e: {  	s25 =	simm.s32 $0x1;
	s23 =	simm.s32 $0x480;
	v5 =	vadd.s32 v0, v3;
	[sflag:s18] =	ssyncadd.s32 @p1 $0xFFFFC000  }
0x2f: {  	s24 =	sand.u32 $0x78, s25;
	v3 =	vadd.s32 v2, v3;
	v6 =	vld [tilespmem:s23+$0xFFFFFF80];
	v7 =	vadd.s32 v5, v4  }
0x30: {  	v8 =	vmov s24;
	v9 =	vld [tilespmem:s23+$0xFFFFFF90];
	v4 =	vadd.s32 v3, v4  }
0x31: {  	v8 =	vshrl.u32 v8, $0x3  }
0x32: {  	v8 =	vshll.u32 v8, v1  }
0x33: {  	v8 =	vbroadcast v8, $0x0  }
0x34: {  	[tilespmem:v7+s16+$0x0] =	vst.idx.msk $0xffff, v6  }
0x35: {  	s26 =	simm.s32 $0x2;
	v6 =	vadd.s32 v5, v8;
	[tilespmem:v4+s16+$0x0] =	vst.idx.msk $0xffff, v9  }
0x36: {  	s24 =	sand.u32 $0x78, s26;
	v4 =	vadd.s32 v3, v8;
	v6 =	vor.u32 $0x1, v6;
	v7 =	vld [tilespmem:s23+$0xFFFFFFA0]  }
0x37: {  	v8 =	vmov s24;
	v9 =	vld [tilespmem:s23+$0xFFFFFFB0];
	v4 =	vor.u32 $0x1, v4  }
0x38: {  	v8 =	vshrl.u32 v8, $0x3  }
0x39: {  	v8 =	vshll.u32 v8, v1  }
0x3a: {  	v8 =	vbroadcast v8, $0x0  }
0x3b: {  	[tilespmem:v6+s16+$0x0] =	vst.idx.msk $0xffff, v7  }
0x3c: {  	s30 =	simm.s32 $0x3;
	[tilespmem:v4+s16+$0x0] =	vst.idx.msk $0xffff, v9;
	v4 =	vadd.s32 v5, v8  }
0x3d: {  	s24 =	sand.u32 $0x78, s30;
	v6 =	vadd.s32 v3, v8;
	v7 =	vld [tilespmem:s23+$0xFFFFFFC0];
	v4 =	vor.u32 $0x2, v4  }
0x3e: {  	v8 =	vmov s24;
	v6 =	vor.u32 $0x2, v6;
	v9 =	vld [tilespmem:s23+$0xFFFFFFD0]  }
0x3f: {  	v8 =	vshrl.u32 v8, $0x3  }
0x40: {  	v8 =	vshll.u32 v8, v1  }
0x41: {  	v8 =	vbroadcast v8, $0x0  }
0x42: {  	[tilespmem:v4+s16+$0x0] =	vst.idx.msk $0xffff, v7  }
0x43: {  	s31 =	simm.s32 $0x4;
	v4 =	vadd.s32 v5, v8;
	[tilespmem:v6+s16+$0x0] =	vst.idx.msk $0xffff, v9  }
0x44: {  	s24 =	sand.u32 $0x78, s31;
	v6 =	vadd.s32 v3, v8;
	v4 =	vor.u32 $0x3, v4;
	v7 =	vld [tilespmem:s23+$0xFFFFFFE0]  }
0x45: {  	v8 =	vmov s24;
	v9 =	vld [tilespmem:s23+$0xFFFFFFF0];
	v6 =	vor.u32 $0x3, v6  }
0x46: {  	v8 =	vshrl.u32 v8, $0x3  }
0x47: {  	v8 =	vshll.u32 v8, v1  }
0x48: {  	v8 =	vbroadcast v8, $0x0  }
0x49: {  	[tilespmem:v4+s16+$0x0] =	vst.idx.msk $0xffff, v7  }
0x4a: {  	s1 =	simm.s32 $0x5;
	v4 =	vadd.s32 v5, v8;
	[tilespmem:v6+s16+$0x0] =	vst.idx.msk $0xffff, v9  }
0x4b: {  	s24 =	sand.u32 $0x78, s1;
	v6 =	vadd.s32 v3, v8;
	v4 =	vor.u32 $0x4, v4;
	v7 =	vld [tilespmem:s23+$0x0]  }
0x4c: {  	v8 =	vmov s24;
	v9 =	vld [tilespmem:s23+$0x10];
	v6 =	vor.u32 $0x4, v6  }
0x4d: {  	v8 =	vshrl.u32 v8, $0x3  }
0x4e: {  	v8 =	vshll.u32 v8, v1  }
0x4f: {  	v8 =	vbroadcast v8, $0x0  }
0x50: {  	[tilespmem:v4+s16+$0x0] =	vst.idx.msk $0xffff, v7  }
0x51: {  	s25 =	simm.s32 $0x6;
	v4 =	vadd.s32 v5, v8;
	[tilespmem:v6+s16+$0x0] =	vst.idx.msk $0xffff, v9  }
0x52: {  	s24 =	sand.u32 $0x78, s25;
	v6 =	vadd.s32 v3, v8;
	v4 =	vor.u32 $0x5, v4;
	v7 =	vld [tilespmem:s23+$0x20]  }
0x53: {  	v8 =	vmov s24;
	v9 =	vld [tilespmem:s23+$0x30];
	v6 =	vor.u32 $0x5, v6  }
0x54: {  	v8 =	vshrl.u32 v8, $0x3  }
0x55: {  	v8 =	vshll.u32 v8, v1  }
0x56: {  	v8 =	vbroadcast v8, $0x0  }
0x57: {  	[tilespmem:v4+s16+$0x0] =	vst.idx.msk $0xffff, v7  }
0x58: {  	s26 =	simm.s32 $0x7;
	v4 =	vadd.s32 v5, v8;
	[tilespmem:v6+s16+$0x0] =	vst.idx.msk $0xffff, v9  }
0x59: {  	s24 =	sand.u32 $0x78, s26;
	v6 =	vadd.s32 v3, v8;
	v4 =	vor.u32 $0x6, v4;
	v7 =	vld [tilespmem:s23+$0x40]  }
0x5a: {  	v8 =	vmov s24;
	v9 =	vld [tilespmem:s23+$0x50];
	v6 =	vor.u32 $0x6, v6  }
0x5b: {  	v8 =	vshrl.u32 v8, $0x3  }
0x5c: {  	v8 =	vshll.u32 v8, v1  }
0x5d: {  	v8 =	vbroadcast v8, $0x0  }
0x5e: {  	[tilespmem:v4+s16+$0x0] =	vst.idx.msk $0xffff, v7  }
0x5f: {  	s28 =	simm.s32 $0x9;
	v4 =	vadd.s32 v5, v8;
	[tilespmem:v6+s16+$0x0] =	vst.idx.msk $0xffff, v9  }
0x60: {  	s29 =	simm.s32 $0xA;
	s30 =	simm.s32 $0x8;
	s25 =	simm.s32 $0x0;
	v3 =	vadd.s32 v3, v8;
	v12 =	vor.u32 $0x7, v4;
	v11 =	vld [tilespmem:s23+$0x60]  }
0x61: {  	s30 =	sand.u32 $0x78, s30;
	s31 =	sand.u32 $0x78, s28;
	s28 =	sand.u32 $0x78, s29;
	v4 =	vmov s25;
	v6 =	vor.u32 $0x7, v3  }
0x62: {  	s29 =	simm.s32 $0xC;
	s1 =	simm.s32 $0xE;
	s26 =	simm.s32 $0xF;
	v3 =	vmov s30;
	v5 =	vmul.u32 $0x440, v4;
	v4 =	vmov s31;
	v7 =	vld [tilespmem:s23+$0x70]  }
0x63: {  	s26 =	sand.u32 $0x78, s26;
	s24 =	simm.s32 $0x17;
	v3 =	vshrl.u32 v3, $0x3;
	v10 =	vshrl.u32 v4, $0x3;
	v4 =	vmov s28;
	s28 =	sand.u32 $0x78, s29  }
0x64: {  	s30 =	sand.u32 $0x78, s1;
	s31 =	simm.s32 $0xD;
	s29 =	simm.s32 $0xB;
	v3 =	vshll.u32 v3, v1;
	v8 =	vbroadcast v5, $0x0;
	v5 =	vmov s28  }
0x65: {  	s25 =	simm.s32 $0x1;
	s29 =	sand.u32 $0x78, s29;
	s28 =	sand.u32 $0x78, s31;
	v9 =	vbroadcast v3, $0x0;
	v10 =	vshll.u32 v10, v1;
	v3 =	vmov s30;
	[tilespmem:v12+s16+$0x0] =	vst.idx.msk $0xffff, v11  }
.LBB2_3:
0x66: {  	p1 =	sne.s32 s24, $0x1FF  }
0x67: {  	v11 =	vadd.s32 v0, v8;
	v5 =	vshrl.u32 v5, $0x3;
	v12 =	vmov s26;
	[tilespmem:v6+s16+$0x0] =	vst.idx.msk $0xffff, v7;
	s23 =	sadd.s32 $0x100, s23;
	s26 =	smov.u32 s24;
	s24 =	sadd.s32 $0x8, s24  }
0x68: {  	v8 =	vadd.s32 v2, v8;
	v6 =	vld [tilespmem:s23+$0xFFFFFF80];
	v7 =	vadd.s32 v11, v9;
	v12 =	vshrl.u32 v12, $0x3  }
0x69: {  	v10 =	vbroadcast v10, $0x0;
	v9 =	vadd.s32 v8, v9;
	v13 =	vld [tilespmem:s23+$0xFFFFFF90];
	v12 =	vshll.u32 v12, v1  }
0x6a: {  	v14 =	vmov s29;
	v5 =	vshll.u32 v5, v1;
	v12 =	vbroadcast v12, $0x0  }
0x6b: {  	v14 =	vshrl.u32 v14, $0x3;
	v5 =	vbroadcast v5, $0x0  }
0x6c: {  	v15 =	vmov s28;
	v16 =	vadd.s32 v11, v12;
	v12 =	vadd.s32 v8, v12  }
0x6d: {  	[tilespmem:v7+s16+$0x0] =	vst.idx.msk $0xffff, v6;
	v6 =	vadd.s32 v11, v10;
	v7 =	vadd.s32 v8, v10;
	v10 =	vshrl.u32 v15, $0x3  }
0x6e: {  	[tilespmem:v9+s16+$0x0] =	vst.idx.msk $0xffff, v13;
	v9 =	vshll.u32 v14, v1;
	v13 =	vadd.s32 v11, v5  }
0x6f: {  	v6 =	vor.u32 $0x1, v6;
	v5 =	vadd.s32 v8, v5;
	v14 =	vld [tilespmem:s23+$0xFFFFFFA0];
	v9 =	vbroadcast v9, $0x0  }
0x70: {  	v7 =	vor.u32 $0x1, v7;
	v10 =	vshll.u32 v10, v1;
	v15 =	vld [tilespmem:s23+$0xFFFFFFB0]  }
0x71: {  	v4 =	vshrl.u32 v4, $0x3;
	v17 =	vadd.s32 v11, v9;
	v9 =	vadd.s32 v8, v9  }
0x72: {  	v4 =	vshll.u32 v4, v1;
	v10 =	vbroadcast v10, $0x0  }
0x73: {  	v4 =	vbroadcast v4, $0x0  }
0x74: {  	[tilespmem:v6+s16+$0x0] =	vst.idx.msk $0xffff, v14;
	v6 =	vadd.s32 v11, v10;
	v10 =	vadd.s32 v8, v10  }
0x75: {  	[tilespmem:v7+s16+$0x0] =	vst.idx.msk $0xffff, v15;
	v7 =	vadd.s32 v11, v4;
	v4 =	vadd.s32 v8, v4  }
0x76: {  	v14 =	vld [tilespmem:s23+$0xFFFFFFC0];
	v7 =	vor.u32 $0x2, v7  }
0x77: {  	v4 =	vor.u32 $0x2, v4;
	v15 =	vld [tilespmem:s23+$0xFFFFFFD0];
	_ =	sdelay $0x3  }
0x78: {  	[tilespmem:v7+s16+$0x0] =	vst.idx.msk $0xffff, v14  }
0x79: {  	[tilespmem:v4+s16+$0x0] =	vst.idx.msk $0xffff, v15  }
0x7a: {  	v7 =	vor.u32 $0x3, v17;
	v4 =	vld [tilespmem:s23+$0xFFFFFFE0]  }
0x7b: {  	v9 =	vor.u32 $0x3, v9;
	v14 =	vld [tilespmem:s23+$0xFFFFFFF0];
	_ =	sdelay $0x3  }
0x7c: {  	[tilespmem:v7+s16+$0x0] =	vst.idx.msk $0xffff, v4  }
0x7d: {  	[tilespmem:v9+s16+$0x0] =	vst.idx.msk $0xffff, v14  }
0x7e: {  	v7 =	vor.u32 $0x4, v13;
	v4 =	vld [tilespmem:s23+$0x0]  }
0x7f: {  	v5 =	vor.u32 $0x4, v5;
	v9 =	vld [tilespmem:s23+$0x10];
	_ =	sdelay $0x3  }
0x80: {  	[tilespmem:v7+s16+$0x0] =	vst.idx.msk $0xffff, v4  }
0x81: {  	[tilespmem:v5+s16+$0x0] =	vst.idx.msk $0xffff, v9  }
0x82: {  	v5 =	vor.u32 $0x5, v6;
	v4 =	vld [tilespmem:s23+$0x20]  }
0x83: {  	v7 =	vor.u32 $0x5, v10;
	v6 =	vld [tilespmem:s23+$0x30]  }
0x84: {  	v3 =	vshrl.u32 v3, $0x3  }
0x85: {  	v3 =	vshll.u32 v3, v1  }
0x86: {  	v3 =	vbroadcast v3, $0x0  }
0x87: {  	[tilespmem:v5+s16+$0x0] =	vst.idx.msk $0xffff, v4  }
0x88: {  	v4 =	vadd.s32 v11, v3;
	v3 =	vadd.s32 v8, v3;
	[tilespmem:v7+s16+$0x0] =	vst.idx.msk $0xffff, v6  }
0x89: {  	v4 =	vor.u32 $0x6, v4;
	v5 =	vld [tilespmem:s23+$0x40]  }
0x8a: {  	v3 =	vor.u32 $0x6, v3;
	v6 =	vld [tilespmem:s23+$0x50];
	_ =	sdelay $0x3  }
0x8b: {  	[tilespmem:v4+s16+$0x0] =	vst.idx.msk $0xffff, v5  }
0x8c: {  	s25 =	sadd.s32 $0x1, s25;
	s28 =	sadd.s32 $0xFFFFFFFB, s26;
	s30 =	sadd.s32 $0xFFFFFFFF, s26;
	[tilespmem:v3+s16+$0x0] =	vst.idx.msk $0xffff, v6  }
0x8d: {  	s29 =	sadd.s32 $0xFFFFFFF9, s26;
	s31 =	sshrl.u32 s25, $0x4;
	s1 =	sadd.s32 $0xFFFFFFFA, s26;
	v13 =	vor.u32 $0x7, v16;
	v11 =	vld [tilespmem:s23+$0x60]  }
.Ltmp2:
0x8e: {  	s29 =	sand.u32 $0x78, s29;
	s1 =	sand.u32 $0x78, s1;
	v3 =	vmov s31;
	v6 =	vor.u32 $0x7, v12;
	v7 =	vld [tilespmem:s23+$0x70];
	(pc) =	sbr.rel @p1 .LBB2_3-.Ltmp2, $4  }
0x8f: {  	v4 =	vmov s29;
	v5 =	vmov s1;
	s1 =	sand.u32 $0x78, s28;
	s28 =	sadd.s32 $0xFFFFFFFC, s26;
	s31 =	sadd.s32 $0xFFFFFFFD, s26;
	v3 =	vmul.u32 $0x440, v3  }
0x90: {  	v9 =	vshrl.u32 v4, $0x3;
	v10 =	vshrl.u32 v5, $0x3;
	v4 =	vmov s1;
	s29 =	sand.u32 $0x78, s28;
	s28 =	sadd.s32 $0xFFFFFFFE, s26;
	s1 =	sand.u32 $0x78, s31  }
0x91: {  	s28 =	sand.u32 $0x78, s28;
	v5 =	vmov s1;
	s1 =	sand.u32 $0x78, s30;
	v8 =	vbroadcast v3, $0x0;
	v3 =	vshll.u32 v9, v1  }
0x92: {  	s26 =	sand.u32 $0x78, s26;
	v10 =	vshll.u32 v10, v1;
	v9 =	vbroadcast v3, $0x0;
	v3 =	vmov s1;
	[tilespmem:v13+s16+$0x0] =	vst.idx.msk $0xffff, v11  }
0x93: {  	_ =	sdelay $0x3  }
0x94: {  	v11 =	vadd.s32 v0, v8;
	[tilespmem:v6+s16+$0x0] =	vst.idx.msk $0xffff, v7;
	s23 =	sadd.s32 $0x100, s23  }
0x95: {  	v43 =	vadd.s32 v2, v8;
	v6 =	vld [tilespmem:s23+$0xFFFFFF80];
	v42 =	vadd.s32 v11, v9  }
0x96: {  	v12 =	vld [tilespmem:s23+$0xFFFFFF90];
	v44 =	vadd.s32 v43, v9;
	_ =	sdelay $0x2  }
0x97: {  	v10 =	vbroadcast v10, $0x0  }
0x98: {  	[tilespmem:v42+s16+$0x0] =	vst.idx.msk $0xffff, v6  }
0x99: {  	v45 =	vadd.s32 v11, v10;
	[tilespmem:v44+s16+$0x0] =	vst.idx.msk $0xffff, v12  }
0x9a: {  	v46 =	vadd.s32 v43, v10;
	v6 =	vor.u32 $0x1, v45;
	v9 =	vld [tilespmem:s23+$0xFFFFFFA0]  }
0x9b: {  	v7 =	vor.u32 $0x1, v46;
	v47 =	vld [tilespmem:s23+$0xFFFFFFB0]  }
0x9c: {  	v4 =	vshrl.u32 v4, $0x3  }
0x9d: {  	v4 =	vshll.u32 v4, v1  }
0x9e: {  	v4 =	vbroadcast v4, $0x0  }
0x9f: {  	[tilespmem:v6+s16+$0x0] =	vst.idx.msk $0xffff, v9  }
0xa0: {  	v48 =	vadd.s32 v11, v4;
	[tilespmem:v7+s16+$0x0] =	vst.idx.msk $0xffff, v47  }
0xa1: {  	v4 =	vadd.s32 v43, v4;
	v6 =	vor.u32 $0x2, v48;
	v7 =	vld [tilespmem:s23+$0xFFFFFFC0]  }
0xa2: {  	v49 =	vmov s29;
	v4 =	vor.u32 $0x2, v4;
	v10 =	vld [tilespmem:s23+$0xFFFFFFD0]  }
0xa3: {  	v9 =	vshrl.u32 v49, $0x3  }
0xa4: {  	v9 =	vshll.u32 v9, v1  }
0xa5: {  	v9 =	vbroadcast v9, $0x0  }
0xa6: {  	[tilespmem:v6+s16+$0x0] =	vst.idx.msk $0xffff, v7  }
0xa7: {  	v50 =	vadd.s32 v11, v9;
	[tilespmem:v4+s16+$0x0] =	vst.idx.msk $0xffff, v10  }
0xa8: {  	v51 =	vadd.s32 v43, v9;
	v6 =	vor.u32 $0x3, v50;
	v7 =	vld [tilespmem:s23+$0xFFFFFFE0]  }
0xa9: {  	v4 =	vor.u32 $0x3, v51;
	v52 =	vld [tilespmem:s23+$0xFFFFFFF0]  }
0xaa: {  	v5 =	vshrl.u32 v5, $0x3  }
0xab: {  	v5 =	vshll.u32 v5, v1  }
0xac: {  	v5 =	vbroadcast v5, $0x0  }
0xad: {  	[tilespmem:v6+s16+$0x0] =	vst.idx.msk $0xffff, v7  }
0xae: {  	v53 =	vadd.s32 v11, v5;
	[tilespmem:v4+s16+$0x0] =	vst.idx.msk $0xffff, v52  }
0xaf: {  	v54 =	vadd.s32 v43, v5;
	v6 =	vor.u32 $0x4, v53;
	v55 =	vld [tilespmem:s23+$0x0]  }
0xb0: {  	v56 =	vmov s28;
	v4 =	vor.u32 $0x4, v54;
	v9 =	vld [tilespmem:s23+$0x10]  }
0xb1: {  	v7 =	vshrl.u32 v56, $0x3  }
0xb2: {  	v7 =	vshll.u32 v7, v1  }
0xb3: {  	v7 =	vbroadcast v7, $0x0  }
0xb4: {  	[tilespmem:v6+s16+$0x0] =	vst.idx.msk $0xffff, v55  }
0xb5: {  	v57 =	vadd.s32 v11, v7;
	[tilespmem:v4+s16+$0x0] =	vst.idx.msk $0xffff, v9  }
0xb6: {  	v58 =	vadd.s32 v43, v7;
	v5 =	vor.u32 $0x5, v57;
	v6 =	vld [tilespmem:s23+$0x20]  }
0xb7: {  	v4 =	vor.u32 $0x5, v58;
	v59 =	vld [tilespmem:s23+$0x30]  }
0xb8: {  	v3 =	vshrl.u32 v3, $0x3  }
0xb9: {  	v3 =	vshll.u32 v3, v1  }
0xba: {  	v3 =	vbroadcast v3, $0x0  }
0xbb: {  	[tilespmem:v5+s16+$0x0] =	vst.idx.msk $0xffff, v6  }
0xbc: {  	v60 =	vadd.s32 v11, v3;
	[tilespmem:v4+s16+$0x0] =	vst.idx.msk $0xffff, v59  }
0xbd: {  	v3 =	vadd.s32 v43, v3;
	v4 =	vor.u32 $0x6, v60;
	v5 =	vld [tilespmem:s23+$0x40]  }
0xbe: {  	v61 =	vmov s26;
	v3 =	vor.u32 $0x6, v3;
	v7 =	vld [tilespmem:s23+$0x50]  }
0xbf: {  	v6 =	vshrl.u32 v61, $0x3  }
0xc0: {  	v6 =	vshll.u32 v6, v1  }
0xc1: {  	v6 =	vbroadcast v6, $0x0  }
0xc2: {  	[tilespmem:v4+s16+$0x0] =	vst.idx.msk $0xffff, v5  }
0xc3: {  	v62 =	vadd.s32 v11, v6;
	[tilespmem:v3+s16+$0x0] =	vst.idx.msk $0xffff, v7  }
0xc4: {  	v4 =	vor.u32 $0x7, v62;
	v3 =	vadd.s32 v43, v6;
	v5 =	vld [tilespmem:s23+$0x60]  }
0xc5: {  	v63 =	vld [tilespmem:s23+$0x70];
	v3 =	vor.u32 $0x7, v3  }
0xc6: {  	s1 =	sshll.u32 s22, $0x9  }
0xc7: {  	s31 =	sshll.u32 s22, $0xB;
	s1 =	sand.u32 $0xC00, s1  }
0xc8: {  	s22 =	sand.u32 $0xFFFC000, s31;
	s1 =	sadd.s32 s2, s1  }
0xc9: {  	s24 =	simm.s32 $0x10;
	s22 =	sadd.s32 s22, s1;
	[tilespmem:v4+s16+$0x0] =	vst.idx.msk $0xffff, v5  }
0xca: {  	s25 =	simm.s32 $0x8488;
	s26 =	sadd.s32 $0x0, s22;
	s23 =	simm.s32 $0x8400;
	[tilespmem:v3+s16+$0x0] =	vst.idx.msk $0xffff, v63  }
.LBB2_5:
0xcb: {  	[hbm4b:s26+s3] =	stream.linear.scatter [tilespmem:s23], [sflag:$0x5], $0x80, $0x38;
	[tilespmem:$0xC800] =	vst v63  }
0xcc: {  	s1 =	smov.u32 s24;
	s23 =	smov.u32 s25;
	p1 =	sne.s32 s24, $0x1F0  }
.Ltmp3:
0xcd: {  	s24 =	sadd.s32 $0x10, s24;
	(pc) =	sbr.rel @p1 .LBB2_5-.Ltmp3, $2  }
0xce: {  	_ =	sdelay $0x2  }
0xcf: {  	s25 =	sadd.s32 $0x88, s25;
	s26 =	sadd.s32 s1, s22  }
0xd0: {  	[hbm4b:s26+s3] =	stream.linear.scatter [tilespmem:s23], [sflag:$0x5], $0x80, $0x38;
	[tilespmem:$0xC800] =	vst v63  }
0xd1: {  	s23 =	sadd.s32 $0x1000, s22;
	s24 =	simm.s32 $0x9500  }
0xd2: {  	s25 =	simm.s32 $0x10;
	s26 =	simm.s32 $0x9588;
	s28 =	sadd.s32 $0x0, s23  }
.LBB2_7:
0xd3: {  	[hbm4b:s28+s3] =	stream.linear.scatter [tilespmem:s24], [sflag:$0x5], $0x80, $0x38;
	[tilespmem:$0xC800] =	vst v63  }
0xd4: {  	s1 =	smov.u32 s25;
	s24 =	smov.u32 s26;
	p1 =	sne.s32 s25, $0x1F0  }
.Ltmp4:
0xd5: {  	s25 =	sadd.s32 $0x10, s25;
	(pc) =	sbr.rel @p1 .LBB2_7-.Ltmp4, $2  }
0xd6: {  	_ =	sdelay $0x2  }
0xd7: {  	s26 =	sadd.s32 $0x88, s26;
	s28 =	sadd.s32 s1, s23  }
0xd8: {  	[hbm4b:s28+s3] =	stream.linear.scatter [tilespmem:s24], [sflag:$0x5], $0x80, $0x38;
	[tilespmem:$0xC800] =	vst v63  }
0xd9: {  	s23 =	sadd.s32 $0x2000, s22;
	s24 =	simm.s32 $0xA600  }
0xda: {  	s25 =	simm.s32 $0x10;
	s26 =	simm.s32 $0xA688;
	s28 =	sadd.s32 $0x0, s23  }
.LBB2_9:
0xdb: {  	[hbm4b:s28+s3] =	stream.linear.scatter [tilespmem:s24], [sflag:$0x5], $0x80, $0x38;
	[tilespmem:$0xC800] =	vst v63  }
0xdc: {  	s1 =	smov.u32 s25;
	s24 =	smov.u32 s26;
	p1 =	sne.s32 s25, $0x1F0  }
.Ltmp5:
0xdd: {  	s25 =	sadd.s32 $0x10, s25;
	(pc) =	sbr.rel @p1 .LBB2_9-.Ltmp5, $2  }
0xde: {  	_ =	sdelay $0x2  }
0xdf: {  	s26 =	sadd.s32 $0x88, s26;
	s28 =	sadd.s32 s1, s23  }
0xe0: {  	[hbm4b:s28+s3] =	stream.linear.scatter [tilespmem:s24], [sflag:$0x5], $0x80, $0x38;
	[tilespmem:$0xC800] =	vst v63  }
0xe1: {  	s22 =	sadd.s32 $0x3000, s22;
	s23 =	simm.s32 $0xB700  }
0xe2: {  	s24 =	simm.s32 $0x10;
	s25 =	simm.s32 $0xB788;
	s26 =	sadd.s32 $0x0, s22  }
.LBB2_11:
0xe3: {  	[hbm4b:s26+s3] =	stream.linear.scatter [tilespmem:s23], [sflag:$0x5], $0x80, $0x38;
	[tilespmem:$0xC800] =	vst v63  }
0xe4: {  	s1 =	smov.u32 s24;
	s23 =	smov.u32 s25;
	p1 =	sne.s32 s24, $0x1F0  }
.Ltmp6:
0xe5: {  	s24 =	sadd.s32 $0x10, s24;
	(pc) =	sbr.rel @p1 .LBB2_11-.Ltmp6, $2  }
0xe6: {  	_ =	sdelay $0x2  }
0xe7: {  	s25 =	sadd.s32 $0x88, s25;
	s26 =	sadd.s32 s1, s22  }
0xe8: {  	[hbm4b:s26+s3] =	stream.linear.scatter [tilespmem:s23], [sflag:$0x5], $0x80, $0x38;
	[tilespmem:$0xC800] =	vst v63  }
0xe9: {  	s1 =	simm.s32 @!p0 $0x1  }
0xea: {  	s22 =	simm.s32 @!p0 $0x0;
	_ =	swait.ge @!p0 [sflag:s1], $0x200  }
0xeb: {  	s23 =	simm.s32 @!p0 $0x400;
	s21 =	sadd.s32 s21, s5;
	[sflag:s1] =	ssyncset.done @!p0 $0x0  }
0xec: {  	s31 =	simm.s32 $0x0;
	[sflag:s1] =	ssyncadd.s32 @!p0 $0xFFFFFE00;
	s1 =	simm.s32 @!p0 $0x200  }
0xed: {  	[tilespmem:s23], [sflag:$0x3] =	stream.indirect.gather @!p0 [hbm4b:s4+s1], $0x20, s22, s1, $0xb8;
	[tilespmem:$0xC800] =	vst v63  }
0xee: {  	s24 =	simm.s32 $0x0;
	s21 =	sadd.s32 $0x1, s21;
	_ =	swait.ge [sflag:s17], $0x4000  }
0xef: {  	v3 =	vmov s24;
	s25 =	sshll.u32 @!p0 s21, $0x6;
	s23 =	sand.u32 $0x78, s31;
	[sflag:s17] =	ssyncset.done $0x0  }
0xf0: {  	v3 =	vmul.u32 $0x440, v3;
	s24 =	sadd.s32 @!p0 s25, s8;
	v4 =	vmov s23;
	[sflag:s17] =	ssyncadd.s32 $0xFFFFC000  }
0xf1: {  	v4 =	vshrl.u32 v4, $0x3;
	[tilespmem:s1], [sflag:$0x2] =	stream.linear.gather @!p0 [hbm4b:s24+s22], $0x200, $0x38;
	[tilespmem:$0xC800] =	vst v63  }
0xf2: {  	v3 =	vbroadcast v3, $0x0;
	v4 =	vshll.u32 v4, v1;
	_ =	swait.ge [sflag:s18], $0x4000  }
0xf3: {  	v4 =	vbroadcast v4, $0x0;
	[sflag:s18] =	ssyncset.done $0x0  }
0xf4: {  	s26 =	simm.s32 $0x0;
	v5 =	vadd.s32 v0, v3;
	s22 =	simm.s32 $0x1;
	[sflag:s18] =	ssyncadd.s32 $0xFFFFC000  }
0xf5: {  	v3 =	vadd.s32 v2, v3;
	s1 =	sand.u32 $0x78, s22;
	v7 =	vadd.s32 v5, v4;
	v6 =	vld [tilespmem:s26+$0x4400]  }
0xf6: {  	v8 =	vmov s1;
	v4 =	vadd.s32 v3, v4;
	v9 =	vld [tilespmem:s26+$0x4410]  }
0xf7: {  	v8 =	vshrl.u32 v8, $0x3  }
0xf8: {  	v8 =	vshll.u32 v8, v1  }
0xf9: {  	v8 =	vbroadcast v8, $0x0  }
0xfa: {  	[tilespmem:v7+s16+$0x0] =	vst.idx.msk $0xffff, v6  }
0xfb: {  	s23 =	simm.s32 $0x2;
	v6 =	vadd.s32 v5, v8;
	[tilespmem:v4+s16+$0x0] =	vst.idx.msk $0xffff, v9  }
0xfc: {  	s1 =	sand.u32 $0x78, s23;
	v4 =	vadd.s32 v3, v8;
	v6 =	vor.u32 $0x1, v6;
	v7 =	vld [tilespmem:s26+$0x4420]  }
0xfd: {  	v8 =	vmov s1;
	v9 =	vld [tilespmem:s26+$0x4430];
	v4 =	vor.u32 $0x1, v4  }
0xfe: {  	v8 =	vshrl.u32 v8, $0x3  }
0xff: {  	v8 =	vshll.u32 v8, v1  }
0x100: {  	v8 =	vbroadcast v8, $0x0  }
0x101: {  	[tilespmem:v6+s16+$0x0] =	vst.idx.msk $0xffff, v7  }
0x102: {  	s24 =	simm.s32 $0x3;
	[tilespmem:v4+s16+$0x0] =	vst.idx.msk $0xffff, v9;
	v4 =	vadd.s32 v5, v8  }
0x103: {  	s1 =	sand.u32 $0x78, s24;
	v6 =	vadd.s32 v3, v8;
	v7 =	vld [tilespmem:s26+$0x4440];
	v4 =	vor.u32 $0x2, v4  }
0x104: {  	v8 =	vmov s1;
	v6 =	vor.u32 $0x2, v6;
	v9 =	vld [tilespmem:s26+$0x4450]  }
0x105: {  	v8 =	vshrl.u32 v8, $0x3  }
0x106: {  	v8 =	vshll.u32 v8, v1  }
0x107: {  	v8 =	vbroadcast v8, $0x0  }
0x108: {  	[tilespmem:v4+s16+$0x0] =	vst.idx.msk $0xffff, v7  }
0x109: {  	s25 =	simm.s32 $0x4;
	v4 =	vadd.s32 v5, v8;
	[tilespmem:v6+s16+$0x0] =	vst.idx.msk $0xffff, v9  }
0x10a: {  	s1 =	sand.u32 $0x78, s25;
	v6 =	vadd.s32 v3, v8;
	v4 =	vor.u32 $0x3, v4;
	v7 =	vld [tilespmem:s26+$0x4460]  }
0x10b: {  	v8 =	vmov s1;
	v9 =	vld [tilespmem:s26+$0x4470];
	v6 =	vor.u32 $0x3, v6  }
0x10c: {  	v8 =	vshrl.u32 v8, $0x3  }
0x10d: {  	v8 =	vshll.u32 v8, v1  }
0x10e: {  	v8 =	vbroadcast v8, $0x0  }
0x10f: {  	[tilespmem:v4+s16+$0x0] =	vst.idx.msk $0xffff, v7  }
0x110: {  	s31 =	simm.s32 $0x5;
	v4 =	vadd.s32 v5, v8;
	[tilespmem:v6+s16+$0x0] =	vst.idx.msk $0xffff, v9  }
0x111: {  	s1 =	sand.u32 $0x78, s31;
	v6 =	vadd.s32 v3, v8;
	v4 =	vor.u32 $0x4, v4;
	v7 =	vld [tilespmem:s26+$0x4480]  }
0x112: {  	v8 =	vmov s1;
	v9 =	vld [tilespmem:s26+$0x4490];
	v6 =	vor.u32 $0x4, v6  }
0x113: {  	v8 =	vshrl.u32 v8, $0x3  }
0x114: {  	v8 =	vshll.u32 v8, v1  }
0x115: {  	v8 =	vbroadcast v8, $0x0  }
0x116: {  	[tilespmem:v4+s16+$0x0] =	vst.idx.msk $0xffff, v7  }
0x117: {  	s22 =	simm.s32 $0x6;
	v4 =	vadd.s32 v5, v8;
	[tilespmem:v6+s16+$0x0] =	vst.idx.msk $0xffff, v9  }
0x118: {  	s1 =	sand.u32 $0x78, s22;
	v6 =	vadd.s32 v3, v8;
	v4 =	vor.u32 $0x5, v4;
	v7 =	vld [tilespmem:s26+$0x44A0]  }
0x119: {  	v8 =	vmov s1;
	v9 =	vld [tilespmem:s26+$0x44B0];
	v6 =	vor.u32 $0x5, v6  }
0x11a: {  	v8 =	vshrl.u32 v8, $0x3  }
0x11b: {  	v8 =	vshll.u32 v8, v1  }
0x11c: {  	v8 =	vbroadcast v8, $0x0  }
0x11d: {  	[tilespmem:v4+s16+$0x0] =	vst.idx.msk $0xffff, v7  }
0x11e: {  	s23 =	simm.s32 $0x7;
	v4 =	vadd.s32 v5, v8;
	[tilespmem:v6+s16+$0x0] =	vst.idx.msk $0xffff, v9  }
0x11f: {  	s1 =	sand.u32 $0x78, s23;
	v6 =	vadd.s32 v3, v8;
	v4 =	vor.u32 $0x6, v4;
	v7 =	vld [tilespmem:s26+$0x44C0]  }
0x120: {  	v8 =	vmov s1;
	v9 =	vld [tilespmem:s26+$0x44D0];
	v6 =	vor.u32 $0x6, v6  }
0x121: {  	v8 =	vshrl.u32 v8, $0x3  }
0x122: {  	v8 =	vshll.u32 v8, v1  }
0x123: {  	v8 =	vbroadcast v8, $0x0  }
0x124: {  	[tilespmem:v4+s16+$0x0] =	vst.idx.msk $0xffff, v7  }
0x125: {  	s28 =	simm.s32 $0xA;
	s24 =	simm.s32 $0x8;
	v4 =	vadd.s32 v5, v8;
	[tilespmem:v6+s16+$0x0] =	vst.idx.msk $0xffff, v9  }
0x126: {  	s25 =	simm.s32 $0x0;
	s31 =	simm.s32 $0x9;
	s22 =	simm.s32 $0x100;
	v3 =	vadd.s32 v3, v8;
	v12 =	vor.u32 $0x7, v4;
	v11 =	vld [tilespmem:s26+$0x44E0]  }
0x127: {  	s23 =	simm.s32 $0x800;
	s1 =	sand.u32 $0x78, s24;
	v5 =	vor.u32 $0x7, v3;
	v4 =	vmov s25;
	s25 =	sand.u32 $0x78, s31;
	v7 =	vld [tilespmem:s26+$0x44F0]  }
0x128: {  	s24 =	simm.s32 $0xF;
	v3 =	vmov s1;
	s31 =	sand.u32 $0x78, s28;
	s28 =	simm.s32 $0xB;
	v4 =	vmul.u32 $0x440, v4;
	v6 =	vmov s25  }
0x129: {  	s29 =	sand.u32 $0x78, s24;
	v9 =	vshrl.u32 v3, $0x3;
	v3 =	vmov s31;
	s31 =	sand.u32 $0x78, s28;
	s28 =	simm.s32 $0xD;
	v13 =	vshrl.u32 v6, $0x3  }
0x12a: {  	s26 =	simm.s32 $0xC;
	v6 =	vmov s31;
	s31 =	sand.u32 $0x78, s28;
	s28 =	simm.s32 $0xE;
	v8 =	vbroadcast v4, $0x0;
	v4 =	vshll.u32 v9, v1  }
0x12b: {  	s25 =	simm.s32 $0x1;
	s30 =	sand.u32 $0x78, s26;
	v9 =	vshll.u32 v13, v1;
	s28 =	sand.u32 $0x78, s28;
	v10 =	vbroadcast v4, $0x0;
	v4 =	vmov s31;
	[tilespmem:v12+s16+$0x0] =	vst.idx.msk $0xffff, v11  }
.LBB2_13:
0x12c: {  	s26 =	sshra.s32 s23, $0x2;
	p1 =	sne.s32 s23, $0xFC00;
	s23 =	sadd.s32 $0x400, s23;
	v11 =	vadd.s32 v0, v8;
	v6 =	vshrl.u32 v6, $0x3;
	v12 =	vmov s29;
	[tilespmem:v5+s16+$0x0] =	vst.idx.msk $0xffff, v7  }
0x12d: {  	v8 =	vadd.s32 v2, v8;
	v4 =	vshrl.u32 v4, $0x3;
	v5 =	vld [tilespmem:s22+$0x4400];
	v7 =	vadd.s32 v11, v10  }
0x12e: {  	v14 =	vmov s30;
	v15 =	vmov s28;
	v10 =	vadd.s32 v8, v10;
	v13 =	vld [tilespmem:s22+$0x4410]  }
0x12f: {  	v9 =	vbroadcast v9, $0x0;
	v6 =	vshll.u32 v6, v1;
	v4 =	vshll.u32 v4, v1  }
0x130: {  	v15 =	vshrl.u32 v15, $0x3;
	v6 =	vbroadcast v6, $0x0;
	v4 =	vbroadcast v4, $0x0  }
0x131: {  	v12 =	vshrl.u32 v12, $0x3;
	v15 =	vshll.u32 v15, v1  }
0x132: {  	v12 =	vshll.u32 v12, v1;
	[tilespmem:v7+s16+$0x0] =	vst.idx.msk $0xffff, v5;
	v5 =	vadd.s32 v11, v9;
	v7 =	vbroadcast v15, $0x0  }
0x133: {  	v9 =	vadd.s32 v8, v9;
	[tilespmem:v10+s16+$0x0] =	vst.idx.msk $0xffff, v13;
	v10 =	vadd.s32 v11, v6;
	v13 =	vshrl.u32 v14, $0x3  }
0x134: {  	v5 =	vor.u32 $0x1, v5;
	v6 =	vadd.s32 v8, v6;
	v14 =	vld [tilespmem:s22+$0x4420];
	v13 =	vshll.u32 v13, v1  }
0x135: {  	v16 =	vadd.s32 v11, v4;
	v9 =	vor.u32 $0x1, v9;
	v15 =	vld [tilespmem:s22+$0x4430];
	v13 =	vbroadcast v13, $0x0  }
0x136: {  	v3 =	vshrl.u32 v3, $0x3;
	v4 =	vadd.s32 v8, v4;
	v17 =	vadd.s32 v11, v7  }
0x137: {  	v3 =	vshll.u32 v3, v1;
	v18 =	vadd.s32 v11, v13;
	v13 =	vadd.s32 v8, v13  }
0x138: {  	v3 =	vbroadcast v3, $0x0;
	v12 =	vbroadcast v12, $0x0;
	v7 =	vadd.s32 v8, v7  }
0x139: {  	[tilespmem:v5+s16+$0x0] =	vst.idx.msk $0xffff, v14  }
0x13a: {  	v5 =	vadd.s32 v11, v3;
	v3 =	vadd.s32 v8, v3;
	[tilespmem:v9+s16+$0x0] =	vst.idx.msk $0xffff, v15  }
0x13b: {  	v11 =	vadd.s32 v11, v12;
	v8 =	vadd.s32 v8, v12;
	v5 =	vor.u32 $0x2, v5;
	v9 =	vld [tilespmem:s22+$0x4440]  }
0x13c: {  	v3 =	vor.u32 $0x2, v3;
	v12 =	vld [tilespmem:s22+$0x4450];
	_ =	sdelay $0x3  }
0x13d: {  	[tilespmem:v5+s16+$0x0] =	vst.idx.msk $0xffff, v9  }
0x13e: {  	[tilespmem:v3+s16+$0x0] =	vst.idx.msk $0xffff, v12  }
0x13f: {  	v5 =	vor.u32 $0x3, v10;
	v3 =	vld [tilespmem:s22+$0x4460]  }
0x140: {  	v6 =	vor.u32 $0x3, v6;
	v9 =	vld [tilespmem:s22+$0x4470];
	_ =	sdelay $0x3  }
0x141: {  	[tilespmem:v5+s16+$0x0] =	vst.idx.msk $0xffff, v3  }
0x142: {  	[tilespmem:v6+s16+$0x0] =	vst.idx.msk $0xffff, v9  }
0x143: {  	v5 =	vor.u32 $0x4, v18;
	v3 =	vld [tilespmem:s22+$0x4480]  }
0x144: {  	v9 =	vor.u32 $0x4, v13;
	v6 =	vld [tilespmem:s22+$0x4490];
	_ =	sdelay $0x3  }
0x145: {  	[tilespmem:v5+s16+$0x0] =	vst.idx.msk $0xffff, v3  }
0x146: {  	[tilespmem:v9+s16+$0x0] =	vst.idx.msk $0xffff, v6  }
0x147: {  	v5 =	vor.u32 $0x5, v16;
	v3 =	vld [tilespmem:s22+$0x44A0]  }
0x148: {  	v4 =	vor.u32 $0x5, v4;
	v6 =	vld [tilespmem:s22+$0x44B0];
	_ =	sdelay $0x3  }
0x149: {  	[tilespmem:v5+s16+$0x0] =	vst.idx.msk $0xffff, v3  }
0x14a: {  	[tilespmem:v4+s16+$0x0] =	vst.idx.msk $0xffff, v6  }
0x14b: {  	v4 =	vor.u32 $0x6, v17;
	v3 =	vld [tilespmem:s22+$0x44C0]  }
0x14c: {  	v6 =	vor.u32 $0x6, v7;
	v5 =	vld [tilespmem:s22+$0x44D0];
	_ =	sdelay $0x3  }
0x14d: {  	s24 =	sadd.s32 $0x8, s24;
	[tilespmem:v4+s16+$0x0] =	vst.idx.msk $0xffff, v3  }
0x14e: {  	s25 =	sadd.s32 $0x1, s25;
	s1 =	sadd.s32 $0xFFFFFFFB, s24;
	[tilespmem:v6+s16+$0x0] =	vst.idx.msk $0xffff, v5  }
0x14f: {  	s28 =	sadd.s32 $0xFFFFFFF9, s24;
	s29 =	sshrl.u32 s25, $0x4;
	s30 =	sadd.s32 $0xFFFFFFFA, s24;
	v11 =	vor.u32 $0x7, v11;
	v12 =	vld [tilespmem:s22+$0x44E0]  }
.Ltmp7:
0x150: {  	s28 =	sand.u32 $0x78, s28;
	v3 =	vmov s29;
	s29 =	sand.u32 $0x78, s30;
	v5 =	vor.u32 $0x7, v8;
	v7 =	vld [tilespmem:s22+$0x44F0];
	(pc) =	sbr.rel @p1 .LBB2_13-.Ltmp7, $4  }
0x151: {  	s1 =	sand.u32 $0x78, s1;
	v4 =	vmov s28;
	s28 =	sadd.s32 $0xFFFFFFFC, s24;
	v6 =	vmul.u32 $0x440, v3;
	v3 =	vmov s29;
	s22 =	smov.u32 s26  }
0x152: {  	v4 =	vshrl.u32 v4, $0x3;
	v9 =	vshrl.u32 v3, $0x3;
	v3 =	vmov s1;
	s1 =	sand.u32 $0x78, s28;
	s28 =	sadd.s32 $0xFFFFFFFE, s24;
	s26 =	sadd.s32 $0xFFFFFFFD, s24  }
0x153: {  	v4 =	vshll.u32 v4, v1;
	v8 =	vbroadcast v6, $0x0;
	v6 =	vmov s1;
	s1 =	sand.u32 $0x78, s28;
	s30 =	sand.u32 $0x78, s26;
	s26 =	sadd.s32 $0xFFFFFFFF, s24  }
0x154: {  	s29 =	sand.u32 $0x78, s24;
	v10 =	vbroadcast v4, $0x0;
	v9 =	vshll.u32 v9, v1;
	v4 =	vmov s1;
	s28 =	sand.u32 $0x78, s26;
	[tilespmem:v11+s16+$0x0] =	vst.idx.msk $0xffff, v12  }
0x155: {  	_ =	sdelay $0x3  }
0x156: {  	v11 =	vadd.s32 v0, v8;
	[tilespmem:v5+s16+$0x0] =	vst.idx.msk $0xffff, v7  }
0x157: {  	v46 =	vadd.s32 v2, v8;
	v5 =	vld [tilespmem:s22+$0x4400];
	v45 =	vadd.s32 v11, v10  }
0x158: {  	v12 =	vld [tilespmem:s22+$0x4410];
	v47 =	vadd.s32 v46, v10;
	_ =	sdelay $0x2  }
0x159: {  	v9 =	vbroadcast v9, $0x0  }
0x15a: {  	[tilespmem:v45+s16+$0x0] =	vst.idx.msk $0xffff, v5  }
0x15b: {  	v48 =	vadd.s32 v11, v9;
	[tilespmem:v47+s16+$0x0] =	vst.idx.msk $0xffff, v12  }
0x15c: {  	v49 =	vadd.s32 v46, v9;
	v5 =	vor.u32 $0x1, v48;
	v50 =	vld [tilespmem:s22+$0x4420]  }
0x15d: {  	v7 =	vor.u32 $0x1, v49;
	v10 =	vld [tilespmem:s22+$0x4430]  }
0x15e: {  	v3 =	vshrl.u32 v3, $0x3  }
0x15f: {  	v3 =	vshll.u32 v3, v1  }
0x160: {  	v3 =	vbroadcast v3, $0x0  }
0x161: {  	[tilespmem:v5+s16+$0x0] =	vst.idx.msk $0xffff, v50  }
0x162: {  	v51 =	vadd.s32 v11, v3;
	[tilespmem:v7+s16+$0x0] =	vst.idx.msk $0xffff, v10  }
0x163: {  	v3 =	vadd.s32 v46, v3;
	v5 =	vor.u32 $0x2, v51;
	v7 =	vld [tilespmem:s22+$0x4440]  }
0x164: {  	v3 =	vor.u32 $0x2, v3;
	v9 =	vld [tilespmem:s22+$0x4450]  }
0x165: {  	v6 =	vshrl.u32 v6, $0x3  }
0x166: {  	v6 =	vshll.u32 v6, v1  }
0x167: {  	v6 =	vbroadcast v6, $0x0  }
0x168: {  	[tilespmem:v5+s16+$0x0] =	vst.idx.msk $0xffff, v7  }
0x169: {  	v52 =	vadd.s32 v11, v6;
	[tilespmem:v3+s16+$0x0] =	vst.idx.msk $0xffff, v9  }
0x16a: {  	v5 =	vor.u32 $0x3, v52;
	v3 =	vadd.s32 v46, v6;
	v53 =	vld [tilespmem:s22+$0x4460]  }
0x16b: {  	v54 =	vmov s30;
	v9 =	vld [tilespmem:s22+$0x4470];
	v3 =	vor.u32 $0x3, v3  }
0x16c: {  	v7 =	vshrl.u32 v54, $0x3  }
0x16d: {  	v7 =	vshll.u32 v7, v1  }
0x16e: {  	v7 =	vbroadcast v7, $0x0  }
0x16f: {  	[tilespmem:v5+s16+$0x0] =	vst.idx.msk $0xffff, v53  }
0x170: {  	v55 =	vadd.s32 v11, v7;
	[tilespmem:v3+s16+$0x0] =	vst.idx.msk $0xffff, v9  }
0x171: {  	v5 =	vor.u32 $0x4, v55;
	v3 =	vadd.s32 v46, v7;
	v6 =	vld [tilespmem:s22+$0x4480]  }
0x172: {  	v56 =	vld [tilespmem:s22+$0x4490];
	v3 =	vor.u32 $0x4, v3  }
0x173: {  	v4 =	vshrl.u32 v4, $0x3  }
0x174: {  	v4 =	vshll.u32 v4, v1  }
0x175: {  	v4 =	vbroadcast v4, $0x0  }
0x176: {  	[tilespmem:v5+s16+$0x0] =	vst.idx.msk $0xffff, v6  }
0x177: {  	v57 =	vadd.s32 v11, v4;
	[tilespmem:v3+s16+$0x0] =	vst.idx.msk $0xffff, v56  }
0x178: {  	v5 =	vor.u32 $0x5, v57;
	v3 =	vadd.s32 v46, v4;
	v58 =	vld [tilespmem:s22+$0x44A0]  }
0x179: {  	v59 =	vmov s28;
	v7 =	vld [tilespmem:s22+$0x44B0];
	v3 =	vor.u32 $0x5, v3  }
0x17a: {  	v6 =	vshrl.u32 v59, $0x3  }
0x17b: {  	v6 =	vshll.u32 v6, v1  }
0x17c: {  	v6 =	vbroadcast v6, $0x0  }
0x17d: {  	[tilespmem:v5+s16+$0x0] =	vst.idx.msk $0xffff, v58  }
0x17e: {  	v60 =	vadd.s32 v11, v6;
	[tilespmem:v3+s16+$0x0] =	vst.idx.msk $0xffff, v7  }
0x17f: {  	v4 =	vor.u32 $0x6, v60;
	v3 =	vadd.s32 v46, v6;
	v5 =	vld [tilespmem:s22+$0x44C0]  }
0x180: {  	v61 =	vmov s29;
	v7 =	vld [tilespmem:s22+$0x44D0];
	v3 =	vor.u32 $0x6, v3  }
0x181: {  	v6 =	vshrl.u32 v61, $0x3  }
0x182: {  	v6 =	vshll.u32 v6, v1  }
0x183: {  	v6 =	vbroadcast v6, $0x0  }
0x184: {  	[tilespmem:v4+s16+$0x0] =	vst.idx.msk $0xffff, v5  }
0x185: {  	v62 =	vadd.s32 v11, v6;
	[tilespmem:v3+s16+$0x0] =	vst.idx.msk $0xffff, v7  }
0x186: {  	v4 =	vor.u32 $0x7, v62;
	v3 =	vadd.s32 v46, v6;
	v5 =	vld [tilespmem:s22+$0x44E0]  }
0x187: {  	v63 =	vld [tilespmem:s22+$0x44F0];
	v3 =	vor.u32 $0x7, v3  }
0x188: {  	s1 =	sshll.u32 s21, $0x9  }
0x189: {  	s31 =	sshll.u32 s21, $0xB;
	s1 =	sand.u32 $0xE00, s1  }
0x18a: {  	s21 =	sand.u32 $0xFFFC000, s31;
	s1 =	sadd.s32 s2, s1  }
0x18b: {  	s23 =	simm.s32 $0x10;
	s21 =	sadd.s32 s21, s1;
	[tilespmem:v4+s16+$0x0] =	vst.idx.msk $0xffff, v5  }
0x18c: {  	s24 =	simm.s32 $0x8488;
	s25 =	sadd.s32 $0x0, s21;
	s22 =	simm.s32 $0x8400;
	[tilespmem:v3+s16+$0x0] =	vst.idx.msk $0xffff, v63  }
.LBB2_15:
0x18d: {  	[hbm4b:s25+s3] =	stream.linear.scatter [tilespmem:s22], [sflag:$0x5], $0x80, $0x38;
	[tilespmem:$0xC800] =	vst v63  }
0x18e: {  	s1 =	smov.u32 s23;
	s22 =	smov.u32 s24;
	p1 =	sne.s32 s23, $0x1F0  }
.Ltmp8:
0x18f: {  	s23 =	sadd.s32 $0x10, s23;
	(pc) =	sbr.rel @p1 .LBB2_15-.Ltmp8, $2  }
0x190: {  	_ =	sdelay $0x2  }
0x191: {  	s24 =	sadd.s32 $0x88, s24;
	s25 =	sadd.s32 s1, s21  }
0x192: {  	[hbm4b:s25+s3] =	stream.linear.scatter [tilespmem:s22], [sflag:$0x5], $0x80, $0x38;
	[tilespmem:$0xC800] =	vst v63  }
0x193: {  	s22 =	sadd.s32 $0x1000, s21;
	s23 =	simm.s32 $0x9500  }
0x194: {  	s24 =	simm.s32 $0x10;
	s25 =	simm.s32 $0x9588;
	s26 =	sadd.s32 $0x0, s22  }
.LBB2_17:
0x195: {  	[hbm4b:s26+s3] =	stream.linear.scatter [tilespmem:s23], [sflag:$0x5], $0x80, $0x38;
	[tilespmem:$0xC800] =	vst v63  }
0x196: {  	s1 =	smov.u32 s24;
	s23 =	smov.u32 s25;
	p1 =	sne.s32 s24, $0x1F0  }
.Ltmp9:
0x197: {  	s24 =	sadd.s32 $0x10, s24;
	(pc) =	sbr.rel @p1 .LBB2_17-.Ltmp9, $2  }
0x198: {  	_ =	sdelay $0x2  }
0x199: {  	s25 =	sadd.s32 $0x88, s25;
	s26 =	sadd.s32 s1, s22  }
0x19a: {  	[hbm4b:s26+s3] =	stream.linear.scatter [tilespmem:s23], [sflag:$0x5], $0x80, $0x38;
	[tilespmem:$0xC800] =	vst v63  }
0x19b: {  	s22 =	sadd.s32 $0x2000, s21;
	s23 =	simm.s32 $0xA600  }
0x19c: {  	s24 =	simm.s32 $0x10;
	s25 =	simm.s32 $0xA688;
	s26 =	sadd.s32 $0x0, s22  }
.LBB2_19:
0x19d: {  	[hbm4b:s26+s3] =	stream.linear.scatter [tilespmem:s23], [sflag:$0x5], $0x80, $0x38;
	[tilespmem:$0xC800] =	vst v63  }
0x19e: {  	s1 =	smov.u32 s24;
	s23 =	smov.u32 s25;
	p1 =	sne.s32 s24, $0x1F0  }
.Ltmp10:
0x19f: {  	s24 =	sadd.s32 $0x10, s24;
	(pc) =	sbr.rel @p1 .LBB2_19-.Ltmp10, $2  }
0x1a0: {  	_ =	sdelay $0x2  }
0x1a1: {  	s25 =	sadd.s32 $0x88, s25;
	s26 =	sadd.s32 s1, s22  }
0x1a2: {  	[hbm4b:s26+s3] =	stream.linear.scatter [tilespmem:s23], [sflag:$0x5], $0x80, $0x38;
	[tilespmem:$0xC800] =	vst v63  }
0x1a3: {  	s21 =	sadd.s32 $0x3000, s21;
	s22 =	simm.s32 $0xB700  }
0x1a4: {  	s23 =	simm.s32 $0x10;
	s24 =	simm.s32 $0xB788;
	s25 =	sadd.s32 $0x0, s21  }
.LBB2_21:
0x1a5: {  	[hbm4b:s25+s3] =	stream.linear.scatter [tilespmem:s22], [sflag:$0x5], $0x80, $0x38;
	[tilespmem:$0xC800] =	vst v63  }
0x1a6: {  	s1 =	smov.u32 s23;
	s22 =	smov.u32 s24;
	p1 =	sne.s32 s23, $0x1F0  }
.Ltmp11:
0x1a7: {  	s23 =	sadd.s32 $0x10, s23;
	(pc) =	sbr.rel @p1 .LBB2_21-.Ltmp11, $2  }
0x1a8: {  	_ =	sdelay $0x2  }
0x1a9: {  	s24 =	sadd.s32 $0x88, s24;
	s25 =	sadd.s32 s1, s21  }
.Ltmp12:
0x1aa: {  	(pc) =	sbr.rel @p0 .LBB2_24-.Ltmp12, $2  }
0x1ab: {  	_ =	sdelay $0x2  }
0x1ac: {  	[hbm4b:s25+s3] =	stream.linear.scatter [tilespmem:s22], [sflag:$0x5], $0x80, $0x38;
	[tilespmem:$0xC800] =	vst v63  }
.Ltmp13:
0x1ad: {  	(pc) =	sbr.rel .LBB2_2-.Ltmp13, $4  }
0x1ae: {  	_ =	swait.ge [sflag:s13], $0x200  }
0x1af: {  	[sflag:s13] =	ssyncset.done $0x0  }
0x1b0: {  	s20 =	sadd.s32 $0x1, s20;
	[sflag:s13] =	ssyncadd.s32 $0xFFFFFE00  }
0x1b1: {  	[tilespmem:s14], [sflag:$0x4] =	stream.indirect.gather [hbm4b:s4+s10], $0x20, s10, s10, $0xb8;
	[tilespmem:$0xC800] =	vst v63  }
.LBB2_25:
0x1b2: {  	_ =	sfence.sel $0x180000  }
0x1b3: {  	[bflag:$0x0] =	sbarrier.arrive $0xFFFF  }
0x1b4: {  	_ =	strace $0x90000047  }
0x1b5: {  	[bflag:$0x2] =	sbarrier.arrive $0xFFFF  }
0x1b6: {  	p0 =	sne.s32 s0, $0x0;
	s0 =	rddreg [dreg:$0x2]  }
0x1b7: {  	s0 =	sadd.s32 @!p0 $0x100000, s0  }
0x1b8: {  	[sflag:s0] =	ssyncadd.tile.s32 @!p0 $0x1;
	_ =	shalt  }
.Lfunc_end2:
_tile_overlayer_lowered:
.L_overlay_start_2:
0x1b9: {  	(tag) =	ssettag $0x2  }
0x1ba: {  	s0 =	rddreg [dreg:$0x0];
	s2 =	stileid.u32  }
0x1bb: {  	s1 =	rddreg [dreg:$0x1];
	p0 =	sne.s32 s2, $0x0  }
0x1bc: {  	s3 =	rddreg [dreg:$0x2];
	[bflag:$0x3] =	sbarrier.arrive $0xFFFF;
	s2 =	simm.s32 @!p0 $0x1C06  }
0x1bd: {  	[timem:s3], [sflag:s2] =	dma.local @!p0 [hbm:s0], s1  }
0x1be: {  	s0 =	simm.s32 @!p0 $0x6  }
0x1bf: {  	_ =	swait.ge @!p0 [sflag:s0], s1  }
0x1c0: {  	s1 =	ssub.s32 @!p0 $0x0, s1;
	[sflag:s0] =	ssyncset.done @!p0 $0x0  }
0x1c1: {  	[sflag:s0] =	ssyncadd.s32 @!p0 s1  }
0x1c2: {  	[bflag:$0x3] =	sbarrier.arrive $0xFFFF  }
0x1c3: {  	_ =	shalt  }

</sc_bundles>
